<compile_context>
chip_gen: v7x
topology: tpu7x:2x2x1
jax: 0.10.2.dev20260603
libtpu: 0.0.44.dev20260713+nightly
codegen_flags: <defaults>
</compile_context>

<pallas_src>
import functools

import jax
import jax.numpy as jnp
from jax import lax
from jax.experimental import pallas as pl
from jax.experimental.pallas import tpu as pltpu
from jax.experimental.pallas import tpu_sc as plsc

EMBED_DIM = 32
NUM_CORES = 2
NUM_SUBCORES = 16
NW = NUM_CORES * NUM_SUBCORES
NBUF = 5


def _sc_gather(table3, idxp, batch, fields, fpad, cpad):
    bpw = batch // NW
    mesh = plsc.VectorSubcoreMesh(core_axis_name="c", subcore_axis_name="s")

    @functools.partial(
        pl.kernel,
        mesh=mesh,
        out_type=jax.ShapeDtypeStruct((batch, fpad, cpad), jnp.float32),
        scratch_types=[
            pltpu.VMEM((fields, bpw), jnp.int32),
            [pltpu.VMEM((bpw, EMBED_DIM), jnp.float32) for _ in range(NBUF)],
            [pltpu.SemaphoreType.DMA for _ in range(NBUF)],
            [pltpu.SemaphoreType.DMA for _ in range(NBUF)],
        ],
        compiler_params=pltpu.CompilerParams(use_tc_tiling_on_sc=False),
    )
    def k(table_hbm, idx_hbm, out_hbm, idx_v, rows, gsem, wsem):
        wid = lax.axis_index("s") * NUM_CORES + lax.axis_index("c")
        b0 = wid * bpw
        pltpu.sync_copy(idx_hbm.at[wid], idx_v)

        gh, wh = {}, {}
        for f in range(min(NBUF, fields)):
            gh[f] = pltpu.async_copy(
                table_hbm.at[idx_v.at[f]], rows[f % NBUF], gsem[f % NBUF])
        for f in range(fields):
            b = f % NBUF
            gh[f].wait()
            wh[f] = pltpu.async_copy(
                rows[b],
                out_hbm.at[pl.ds(b0, bpw), f, pl.ds(0, EMBED_DIM)],
                wsem[b])
            wh[f].wait()
            if f + NBUF < fields:
                gh[f + NBUF] = pltpu.async_copy(
                    table_hbm.at[idx_v.at[f + NBUF]], rows[b], gsem[b])

    return k(table3, idxp)


def kernel(inputs, table):
    batch, fields = inputs.shape
    vocab = table.shape[0]
    fpad = 32
    cpad = 128
    idxp = (inputs.astype(jnp.int32).T
            .reshape(fields, NW, batch // NW)
            .transpose(1, 0, 2))
    tab_rm = jax.lax.optimization_barrier(
        table.reshape(vocab // 4, 4 * EMBED_DIM))
    out5 = _sc_gather(
        tab_rm.reshape(vocab, EMBED_DIM), idxp, batch, fields, fpad, cpad)
    return out5[:, :fields, :EMBED_DIM]

# --- scband reference (transcript-rebuilt; emitter-appended) ---
"""Pipeline reference for scband-categorical-model-52407190945902 (READ-ONLY COPY).

The authoritative reference and input builder live on the scoring server;
editing this copy changes nothing except your own understanding.
"""

import jax, jax.numpy as jnp
import numpy as np

VOCAB = 1000000
EMBED_DIM = 32
BATCH = 16384
FIELDS = 26


def setup_inputs(seed: int = 0) -> dict:
    key = jax.random.key(seed)
    k_idx, k_tab = jax.random.split(key)
    inputs = jax.random.randint(k_idx, (BATCH, FIELDS), 0, VOCAB, dtype=jnp.int64 if jax.config.jax_enable_x64 else jnp.int32)
    # Keras Embedding default initializer is uniform(-0.05, 0.05)
    table = jax.random.uniform(k_tab, (VOCAB, EMBED_DIM), dtype=jnp.float32, minval=-0.05, maxval=0.05)
    return {"inputs": inputs, "table": table}


def reference(inputs, table):
    # tf.keras.layers.Embedding: gather rows of the table by integer index
    return jnp.take(table, inputs, axis=0)

if __name__ == "__main__":
    import jax
    _d = setup_inputs()
    print(jax.jit(kernel)(*tuple(_d.values())))

</pallas_src>

<mosaic_0001>
#map = affine_map<(d0, d1) -> (0, 0)>
#map1 = affine_map<(d0, d1) -> (0, 0, 0)>
module attributes {stable_mosaic.version = 14 : i64} {
  func.func @k(%arg0: i32, %arg1: i32, %arg2: memref<1000000x32xf32, #tpu.memory_space<hbm>>, %arg3: memref<32x26x512xi32, #tpu.memory_space<hbm>>, %arg4: memref<16384x32x128xf32, #tpu.memory_space<hbm>>, %arg5: memref<26x512xi32, #tpu.memory_space<vmem>>, %arg6: memref<512x32xf32, #tpu.memory_space<vmem>>, %arg7: memref<512x32xf32, #tpu.memory_space<vmem>>, %arg8: memref<512x32xf32, #tpu.memory_space<vmem>>, %arg9: memref<512x32xf32, #tpu.memory_space<vmem>>, %arg10: memref<512x32xf32, #tpu.memory_space<vmem>>, %arg11: memref<!tpu.dma_semaphore, #tpu.memory_space<semaphore_mem>>, %arg12: memref<!tpu.dma_semaphore, #tpu.memory_space<semaphore_mem>>, %arg13: memref<!tpu.dma_semaphore, #tpu.memory_space<semaphore_mem>>, %arg14: memref<!tpu.dma_semaphore, #tpu.memory_space<semaphore_mem>>, %arg15: memref<!tpu.dma_semaphore, #tpu.memory_space<semaphore_mem>>, %arg16: memref<!tpu.dma_semaphore, #tpu.memory_space<semaphore_mem>>, %arg17: memref<!tpu.dma_semaphore, #tpu.memory_space<semaphore_mem>>, %arg18: memref<!tpu.dma_semaphore, #tpu.memory_space<semaphore_mem>>, %arg19: memref<!tpu.dma_semaphore, #tpu.memory_space<semaphore_mem>>, %arg20: memref<!tpu.dma_semaphore, #tpu.memory_space<semaphore_mem>>) attributes {dimension_semantics = [#tpu.dimension_semantics<core_parallel>, #tpu.dimension_semantics<subcore_parallel>], iteration_bounds = array<i64: 2, 16>, scalar_prefetch = 0 : i64, scratch_operands = 16 : i64, tpu.core_type = #tpu.core_type<sc_vector_subcore>, window_params = [{transform_indices = #map}, {transform_indices = #map1}, {transform_indices = #map1}]} {
    %mul3A = arith.constant 2 : i32
    %mul3A_0 = arith.muli %arg1, %mul3A : i32
    %add3A = arith.addi %mul3A_0, %arg0 : i32
    %mul3A_1 = arith.constant 512 : i32
    %mul3A_2 = arith.muli %add3A, %mul3A_1 : i32
    "tpu.region"() ({
      %run_scoped3A = tpu.sem_alloc : memref<!tpu.dma_semaphore, #tpu.memory_space<semaphore_mem>>
      %dma_start3A_729 = arith.constant 0 : i32
      %dma_start3A_730 = arith.constant 0 : i32
      %dma_start3A_731 = tpu.memref_slice %arg3[%add3A, %dma_start3A_729, %dma_start3A_730] : memref<32x26x512xi32, #tpu.memory_space<hbm>> -> memref<1x26x512xi32, #tpu.memory_space<hbm>>
      %dma_start3A_732 = tpu.memref_squeeze %dma_start3A_731 : memref<1x26x512xi32, #tpu.memory_space<hbm>> -> memref<26x512xi32, #tpu.memory_space<hbm>>
      %dma_start3A_733 = arith.constant 0 : i32
      %dma_start3A_734 = arith.constant 0 : i32
      %dma_start3A_735 = tpu.memref_slice %arg3[%add3A, %dma_start3A_733, %dma_start3A_734] : memref<32x26x512xi32, #tpu.memory_space<hbm>> -> memref<1x26x512xi32, #tpu.memory_space<hbm>>
      %dma_start3A_736 = tpu.memref_squeeze %dma_start3A_735 : memref<1x26x512xi32, #tpu.memory_space<hbm>> -> memref<26x512xi32, #tpu.memory_space<hbm>>
      tpu.enqueue_dma source(%dma_start3A_736 : memref<26x512xi32, #tpu.memory_space<hbm>>) target(%arg5 : memref<26x512xi32, #tpu.memory_space<vmem>>) target_semaphore(%run_scoped3A : memref<!tpu.dma_semaphore, #tpu.memory_space<semaphore_mem>>)
      %dma_wait3A_737 = arith.constant 0 : i32
      %dma_wait3A_738 = arith.constant 0 : i32
      %dma_wait3A_739 = tpu.memref_slice %arg3[%add3A, %dma_wait3A_737, %dma_wait3A_738] : memref<32x26x512xi32, #tpu.memory_space<hbm>> -> memref<1x26x512xi32, #tpu.memory_space<hbm>>
      %dma_wait3A_740 = tpu.memref_squeeze %dma_wait3A_739 : memref<1x26x512xi32, #tpu.memory_space<hbm>> -> memref<26x512xi32, #tpu.memory_space<hbm>>
      %dma_wait3A_741 = arith.constant 0 : i32
      %dma_wait3A_742 = arith.constant 0 : i32
      %dma_wait3A_743 = tpu.memref_slice %arg3[%add3A, %dma_wait3A_741, %dma_wait3A_742] : memref<32x26x512xi32, #tpu.memory_space<hbm>> -> memref<1x26x512xi32, #tpu.memory_space<hbm>>
      %dma_wait3A_744 = tpu.memref_squeeze %dma_wait3A_743 : memref<1x26x512xi32, #tpu.memory_space<hbm>> -> memref<26x512xi32, #tpu.memory_space<hbm>>
      tpu.wait_dma2 semaphore(%run_scoped3A : memref<!tpu.dma_semaphore, #tpu.memory_space<semaphore_mem>>) src(%dma_wait3A_744 : memref<26x512xi32, #tpu.memory_space<hbm>>) dst(%arg5 : memref<26x512xi32, #tpu.memory_space<vmem>>)
      tpu.yield
    }) : () -> ()
    %dma_start3A = arith.constant 0 : i32
    %dma_start3A_3 = arith.constant 0 : i32
    %dma_start3A_4 = tpu.memref_slice %arg5[%dma_start3A, %dma_start3A_3] : memref<26x512xi32, #tpu.memory_space<vmem>> -> memref<1x512xi32, #tpu.memory_space<vmem>>
    %dma_start3A_5 = tpu.memref_squeeze %dma_start3A_4 : memref<1x512xi32, #tpu.memory_space<vmem>> -> memref<512xi32, #tpu.memory_space<vmem>>
    %dma_start3A_6 = arith.constant 0 : i32
    %dma_start3A_7 = arith.constant 0 : i32
    %dma_start3A_8 = tpu.memref_slice %arg2[%dma_start3A_6, %dma_start3A_7] : memref<1000000x32xf32, #tpu.memory_space<hbm>> -> memref<1000000x32xf32, #tpu.memory_space<hbm>>
    tpu.enqueue_indirect_dma source(%dma_start3A_8 : memref<1000000x32xf32, #tpu.memory_space<hbm>>) target(%arg6 : memref<512x32xf32, #tpu.memory_space<vmem>>) offsets(%dma_start3A_5 : memref<512xi32, #tpu.memory_space<vmem>>) semaphore(%arg11 : memref<!tpu.dma_semaphore, #tpu.memory_space<semaphore_mem>>)
    %dma_start3A_9 = arith.constant 1 : i32
    %dma_start3A_10 = arith.constant 0 : i32
    %dma_start3A_11 = tpu.memref_slice %arg5[%dma_start3A_9, %dma_start3A_10] : memref<26x512xi32, #tpu.memory_space<vmem>> -> memref<1x512xi32, #tpu.memory_space<vmem>>
    %dma_start3A_12 = tpu.memref_squeeze %dma_start3A_11 : memref<1x512xi32, #tpu.memory_space<vmem>> -> memref<512xi32, #tpu.memory_space<vmem>>
    %dma_start3A_13 = arith.constant 0 : i32
    %dma_start3A_14 = arith.constant 0 : i32
    %dma_start3A_15 = tpu.memref_slice %arg2[%dma_start3A_13, %dma_start3A_14] : memref<1000000x32xf32, #tpu.memory_space<hbm>> -> memref<1000000x32xf32, #tpu.memory_space<hbm>>
    tpu.enqueue_indirect_dma source(%dma_start3A_15 : memref<1000000x32xf32, #tpu.memory_space<hbm>>) target(%arg7 : memref<512x32xf32, #tpu.memory_space<vmem>>) offsets(%dma_start3A_12 : memref<512xi32, #tpu.memory_space<vmem>>) semaphore(%arg12 : memref<!tpu.dma_semaphore, #tpu.memory_space<semaphore_mem>>)
    %dma_start3A_16 = arith.constant 2 : i32
    %dma_start3A_17 = arith.constant 0 : i32
    %dma_start3A_18 = tpu.memref_slice %arg5[%dma_start3A_16, %dma_start3A_17] : memref<26x512xi32, #tpu.memory_space<vmem>> -> memref<1x512xi32, #tpu.memory_space<vmem>>
    %dma_start3A_19 = tpu.memref_squeeze %dma_start3A_18 : memref<1x512xi32, #tpu.memory_space<vmem>> -> memref<512xi32, #tpu.memory_space<vmem>>
    %dma_start3A_20 = arith.constant 0 : i32
    %dma_start3A_21 = arith.constant 0 : i32
    %dma_start3A_22 = tpu.memref_slice %arg2[%dma_start3A_20, %dma_start3A_21] : memref<1000000x32xf32, #tpu.memory_space<hbm>> -> memref<1000000x32xf32, #tpu.memory_space<hbm>>
    tpu.enqueue_indirect_dma source(%dma_start3A_22 : memref<1000000x32xf32, #tpu.memory_space<hbm>>) target(%arg8 : memref<512x32xf32, #tpu.memory_space<vmem>>) offsets(%dma_start3A_19 : memref<512xi32, #tpu.memory_space<vmem>>) semaphore(%arg13 : memref<!tpu.dma_semaphore, #tpu.memory_space<semaphore_mem>>)
    %dma_start3A_23 = arith.constant 3 : i32
    %dma_start3A_24 = arith.constant 0 : i32
    %dma_start3A_25 = tpu.memref_slice %arg5[%dma_start3A_23, %dma_start3A_24] : memref<26x512xi32, #tpu.memory_space<vmem>> -> memref<1x512xi32, #tpu.memory_space<vmem>>
    %dma_start3A_26 = tpu.memref_squeeze %dma_start3A_25 : memref<1x512xi32, #tpu.memory_space<vmem>> -> memref<512xi32, #tpu.memory_space<vmem>>
    %dma_start3A_27 = arith.constant 0 : i32
    %dma_start3A_28 = arith.constant 0 : i32
    %dma_start3A_29 = tpu.memref_slice %arg2[%dma_start3A_27, %dma_start3A_28] : memref<1000000x32xf32, #tpu.memory_space<hbm>> -> memref<1000000x32xf32, #tpu.memory_space<hbm>>
    tpu.enqueue_indirect_dma source(%dma_start3A_29 : memref<1000000x32xf32, #tpu.memory_space<hbm>>) target(%arg9 : memref<512x32xf32, #tpu.memory_space<vmem>>) offsets(%dma_start3A_26 : memref<512xi32, #tpu.memory_space<vmem>>) semaphore(%arg14 : memref<!tpu.dma_semaphore, #tpu.memory_space<semaphore_mem>>)
    %dma_start3A_30 = arith.constant 4 : i32
    %dma_start3A_31 = arith.constant 0 : i32
    %dma_start3A_32 = tpu.memref_slice %arg5[%dma_start3A_30, %dma_start3A_31] : memref<26x512xi32, #tpu.memory_space<vmem>> -> memref<1x512xi32, #tpu.memory_space<vmem>>
    %dma_start3A_33 = tpu.memref_squeeze %dma_start3A_32 : memref<1x512xi32, #tpu.memory_space<vmem>> -> memref<512xi32, #tpu.memory_space<vmem>>
    %dma_start3A_34 = arith.constant 0 : i32
    %dma_start3A_35 = arith.constant 0 : i32
    %dma_start3A_36 = tpu.memref_slice %arg2[%dma_start3A_34, %dma_start3A_35] : memref<1000000x32xf32, #tpu.memory_space<hbm>> -> memref<1000000x32xf32, #tpu.memory_space<hbm>>
    tpu.enqueue_indirect_dma source(%dma_start3A_36 : memref<1000000x32xf32, #tpu.memory_space<hbm>>) target(%arg10 : memref<512x32xf32, #tpu.memory_space<vmem>>) offsets(%dma_start3A_33 : memref<512xi32, #tpu.memory_space<vmem>>) semaphore(%arg15 : memref<!tpu.dma_semaphore, #tpu.memory_space<semaphore_mem>>)
    %dma_wait3A = arith.constant 0 : i32
    %dma_wait3A_37 = arith.constant 0 : i32
    %dma_wait3A_38 = tpu.memref_slice %arg5[%dma_wait3A, %dma_wait3A_37] : memref<26x512xi32, #tpu.memory_space<vmem>> -> memref<1x512xi32, #tpu.memory_space<vmem>>
    %dma_wait3A_39 = tpu.memref_squeeze %dma_wait3A_38 : memref<1x512xi32, #tpu.memory_space<vmem>> -> memref<512xi32, #tpu.memory_space<vmem>>
    %dma_wait3A_40 = arith.constant 0 : i32
    %dma_wait3A_41 = arith.constant 0 : i32
    %dma_wait3A_42 = tpu.memref_slice %arg2[%dma_wait3A_40, %dma_wait3A_41] : memref<1000000x32xf32, #tpu.memory_space<hbm>> -> memref<1000000x32xf32, #tpu.memory_space<hbm>>
    tpu.wait_indirect_dma semaphore(%arg11 : memref<!tpu.dma_semaphore, #tpu.memory_space<semaphore_mem>>) src(%dma_wait3A_42 : memref<1000000x32xf32, #tpu.memory_space<hbm>>) dst(%arg6 : memref<512x32xf32, #tpu.memory_space<vmem>>)
    %dma_start3A_43 = arith.constant 0 : i32
    %dma_start3A_44 = arith.constant 0 : i32
    %dma_start3A_45 = tpu.memref_slice %arg4[%mul3A_2, %dma_start3A_43, %dma_start3A_44] : memref<16384x32x128xf32, #tpu.memory_space<hbm>> -> memref<512x1x32xf32, #tpu.memory_space<hbm>>
    %dma_start3A_46 = tpu.memref_squeeze %dma_start3A_45 : memref<512x1x32xf32, #tpu.memory_space<hbm>> -> memref<512x32xf32, #tpu.memory_space<hbm>>
    %dma_start3A_47 = arith.constant 0 : i32
    %dma_start3A_48 = tpu.memref_slice %arg4[%mul3A_2, %dma_start3A_43, %dma_start3A_47] : memref<16384x32x128xf32, #tpu.memory_space<hbm>> -> memref<512x1x32xf32, #tpu.memory_space<hbm>>
    %dma_start3A_49 = tpu.memref_squeeze %dma_start3A_48 : memref<512x1x32xf32, #tpu.memory_space<hbm>> -> memref<512x32xf32, #tpu.memory_space<hbm>>
    tpu.enqueue_dma source(%arg6 : memref<512x32xf32, #tpu.memory_space<vmem>>) target(%dma_start3A_49 : memref<512x32xf32, #tpu.memory_space<hbm>>) target_semaphore(%arg16 : memref<!tpu.dma_semaphore, #tpu.memory_space<semaphore_mem>>)
    %dma_wait3A_50 = arith.constant 0 : i32
    %dma_wait3A_51 = arith.constant 0 : i32
    %dma_wait3A_52 = tpu.memref_slice %arg4[%mul3A_2, %dma_wait3A_50, %dma_wait3A_51] : memref<16384x32x128xf32, #tpu.memory_space<hbm>> -> memref<512x1x32xf32, #tpu.memory_space<hbm>>
    %dma_wait3A_53 = tpu.memref_squeeze %dma_wait3A_52 : memref<512x1x32xf32, #tpu.memory_space<hbm>> -> memref<512x32xf32, #tpu.memory_space<hbm>>
    %dma_wait3A_54 = arith.constant 0 : i32
    %dma_wait3A_55 = tpu.memref_slice %arg4[%mul3A_2, %dma_wait3A_50, %dma_wait3A_54] : memref<16384x32x128xf32, #tpu.memory_space<hbm>> -> memref<512x1x32xf32, #tpu.memory_space<hbm>>
    %dma_wait3A_56 = tpu.memref_squeeze %dma_wait3A_55 : memref<512x1x32xf32, #tpu.memory_space<hbm>> -> memref<512x32xf32, #tpu.memory_space<hbm>>
    tpu.wait_dma2 semaphore(%arg16 : memref<!tpu.dma_semaphore, #tpu.memory_space<semaphore_mem>>) src(%arg6 : memref<512x32xf32, #tpu.memory_space<vmem>>) dst(%dma_wait3A_56 : memref<512x32xf32, #tpu.memory_space<hbm>>)
    %dma_start3A_57 = arith.constant 5 : i32
    %dma_start3A_58 = arith.constant 0 : i32
    %dma_start3A_59 = tpu.memref_slice %arg5[%dma_start3A_57, %dma_start3A_58] : memref<26x512xi32, #tpu.memory_space<vmem>> -> memref<1x512xi32, #tpu.memory_space<vmem>>
    %dma_start3A_60 = tpu.memref_squeeze %dma_start3A_59 : memref<1x512xi32, #tpu.memory_space<vmem>> -> memref<512xi32, #tpu.memory_space<vmem>>
    %dma_start3A_61 = arith.constant 0 : i32
    %dma_start3A_62 = arith.constant 0 : i32
    %dma_start3A_63 = tpu.memref_slice %arg2[%dma_start3A_61, %dma_start3A_62] : memref<1000000x32xf32, #tpu.memory_space<hbm>> -> memref<1000000x32xf32, #tpu.memory_space<hbm>>
    tpu.enqueue_indirect_dma source(%dma_start3A_63 : memref<1000000x32xf32, #tpu.memory_space<hbm>>) target(%arg6 : memref<512x32xf32, #tpu.memory_space<vmem>>) offsets(%dma_start3A_60 : memref<512xi32, #tpu.memory_space<vmem>>) semaphore(%arg11 : memref<!tpu.dma_semaphore, #tpu.memory_space<semaphore_mem>>)
    %dma_wait3A_64 = arith.constant 1 : i32
    %dma_wait3A_65 = arith.constant 0 : i32
    %dma_wait3A_66 = tpu.memref_slice %arg5[%dma_wait3A_64, %dma_wait3A_65] : memref<26x512xi32, #tpu.memory_space<vmem>> -> memref<1x512xi32, #tpu.memory_space<vmem>>
    %dma_wait3A_67 = tpu.memref_squeeze %dma_wait3A_66 : memref<1x512xi32, #tpu.memory_space<vmem>> -> memref<512xi32, #tpu.memory_space<vmem>>
    %dma_wait3A_68 = arith.constant 0 : i32
    %dma_wait3A_69 = arith.constant 0 : i32
    %dma_wait3A_70 = tpu.memref_slice %arg2[%dma_wait3A_68, %dma_wait3A_69] : memref<1000000x32xf32, #tpu.memory_space<hbm>> -> memref<1000000x32xf32, #tpu.memory_space<hbm>>
    tpu.wait_indirect_dma semaphore(%arg12 : memref<!tpu.dma_semaphore, #tpu.memory_space<semaphore_mem>>) src(%dma_wait3A_70 : memref<1000000x32xf32, #tpu.memory_space<hbm>>) dst(%arg7 : memref<512x32xf32, #tpu.memory_space<vmem>>)
    %dma_start3A_71 = arith.constant 1 : i32
    %dma_start3A_72 = arith.constant 0 : i32
    %dma_start3A_73 = tpu.memref_slice %arg4[%mul3A_2, %dma_start3A_71, %dma_start3A_72] : memref<16384x32x128xf32, #tpu.memory_space<hbm>> -> memref<512x1x32xf32, #tpu.memory_space<hbm>>
    %dma_start3A_74 = tpu.memref_squeeze %dma_start3A_73 : memref<512x1x32xf32, #tpu.memory_space<hbm>> -> memref<512x32xf32, #tpu.memory_space<hbm>>
    %dma_start3A_75 = arith.constant 0 : i32
    %dma_start3A_76 = tpu.memref_slice %arg4[%mul3A_2, %dma_start3A_71, %dma_start3A_75] : memref<16384x32x128xf32, #tpu.memory_space<hbm>> -> memref<512x1x32xf32, #tpu.memory_space<hbm>>
    %dma_start3A_77 = tpu.memref_squeeze %dma_start3A_76 : memref<512x1x32xf32, #tpu.memory_space<hbm>> -> memref<512x32xf32, #tpu.memory_space<hbm>>
    tpu.enqueue_dma source(%arg7 : memref<512x32xf32, #tpu.memory_space<vmem>>) target(%dma_start3A_77 : memref<512x32xf32, #tpu.memory_space<hbm>>) target_semaphore(%arg17 : memref<!tpu.dma_semaphore, #tpu.memory_space<semaphore_mem>>)
    %dma_wait3A_78 = arith.constant 1 : i32
    %dma_wait3A_79 = arith.constant 0 : i32
    %dma_wait3A_80 = tpu.memref_slice %arg4[%mul3A_2, %dma_wait3A_78, %dma_wait3A_79] : memref<16384x32x128xf32, #tpu.memory_space<hbm>> -> memref<512x1x32xf32, #tpu.memory_space<hbm>>
    %dma_wait3A_81 = tpu.memref_squeeze %dma_wait3A_80 : memref<512x1x32xf32, #tpu.memory_space<hbm>> -> memref<512x32xf32, #tpu.memory_space<hbm>>
    %dma_wait3A_82 = arith.constant 0 : i32
    %dma_wait3A_83 = tpu.memref_slice %arg4[%mul3A_2, %dma_wait3A_78, %dma_wait3A_82] : memref<16384x32x128xf32, #tpu.memory_space<hbm>> -> memref<512x1x32xf32, #tpu.memory_space<hbm>>
    %dma_wait3A_84 = tpu.memref_squeeze %dma_wait3A_83 : memref<512x1x32xf32, #tpu.memory_space<hbm>> -> memref<512x32xf32, #tpu.memory_space<hbm>>
    tpu.wait_dma2 semaphore(%arg17 : memref<!tpu.dma_semaphore, #tpu.memory_space<semaphore_mem>>) src(%arg7 : memref<512x32xf32, #tpu.memory_space<vmem>>) dst(%dma_wait3A_84 : memref<512x32xf32, #tpu.memory_space<hbm>>)
    %dma_start3A_85 = arith.constant 6 : i32
    %dma_start3A_86 = arith.constant 0 : i32
    %dma_start3A_87 = tpu.memref_slice %arg5[%dma_start3A_85, %dma_start3A_86] : memref<26x512xi32, #tpu.memory_space<vmem>> -> memref<1x512xi32, #tpu.memory_space<vmem>>
    %dma_start3A_88 = tpu.memref_squeeze %dma_start3A_87 : memref<1x512xi32, #tpu.memory_space<vmem>> -> memref<512xi32, #tpu.memory_space<vmem>>
    %dma_start3A_89 = arith.constant 0 : i32
    %dma_start3A_90 = arith.constant 0 : i32
    %dma_start3A_91 = tpu.memref_slice %arg2[%dma_start3A_89, %dma_start3A_90] : memref<1000000x32xf32, #tpu.memory_space<hbm>> -> memref<1000000x32xf32, #tpu.memory_space<hbm>>
    tpu.enqueue_indirect_dma source(%dma_start3A_91 : memref<1000000x32xf32, #tpu.memory_space<hbm>>) target(%arg7 : memref<512x32xf32, #tpu.memory_space<vmem>>) offsets(%dma_start3A_88 : memref<512xi32, #tpu.memory_space<vmem>>) semaphore(%arg12 : memref<!tpu.dma_semaphore, #tpu.memory_space<semaphore_mem>>)
    %dma_wait3A_92 = arith.constant 2 : i32
    %dma_wait3A_93 = arith.constant 0 : i32
    %dma_wait3A_94 = tpu.memref_slice %arg5[%dma_wait3A_92, %dma_wait3A_93] : memref<26x512xi32, #tpu.memory_space<vmem>> -> memref<1x512xi32, #tpu.memory_space<vmem>>
    %dma_wait3A_95 = tpu.memref_squeeze %dma_wait3A_94 : memref<1x512xi32, #tpu.memory_space<vmem>> -> memref<512xi32, #tpu.memory_space<vmem>>
    %dma_wait3A_96 = arith.constant 0 : i32
    %dma_wait3A_97 = arith.constant 0 : i32
    %dma_wait3A_98 = tpu.memref_slice %arg2[%dma_wait3A_96, %dma_wait3A_97] : memref<1000000x32xf32, #tpu.memory_space<hbm>> -> memref<1000000x32xf32, #tpu.memory_space<hbm>>
    tpu.wait_indirect_dma semaphore(%arg13 : memref<!tpu.dma_semaphore, #tpu.memory_space<semaphore_mem>>) src(%dma_wait3A_98 : memref<1000000x32xf32, #tpu.memory_space<hbm>>) dst(%arg8 : memref<512x32xf32, #tpu.memory_space<vmem>>)
    %dma_start3A_99 = arith.constant 2 : i32
    %dma_start3A_100 = arith.constant 0 : i32
    %dma_start3A_101 = tpu.memref_slice %arg4[%mul3A_2, %dma_start3A_99, %dma_start3A_100] : memref<16384x32x128xf32, #tpu.memory_space<hbm>> -> memref<512x1x32xf32, #tpu.memory_space<hbm>>
    %dma_start3A_102 = tpu.memref_squeeze %dma_start3A_101 : memref<512x1x32xf32, #tpu.memory_space<hbm>> -> memref<512x32xf32, #tpu.memory_space<hbm>>
    %dma_start3A_103 = arith.constant 0 : i32
    %dma_start3A_104 = tpu.memref_slice %arg4[%mul3A_2, %dma_start3A_99, %dma_start3A_103] : memref<16384x32x128xf32, #tpu.memory_space<hbm>> -> memref<512x1x32xf32, #tpu.memory_space<hbm>>
    %dma_start3A_105 = tpu.memref_squeeze %dma_start3A_104 : memref<512x1x32xf32, #tpu.memory_space<hbm>> -> memref<512x32xf32, #tpu.memory_space<hbm>>
    tpu.enqueue_dma source(%arg8 : memref<512x32xf32, #tpu.memory_space<vmem>>) target(%dma_start3A_105 : memref<512x32xf32, #tpu.memory_space<hbm>>) target_semaphore(%arg18 : memref<!tpu.dma_semaphore, #tpu.memory_space<semaphore_mem>>)
    %dma_wait3A_106 = arith.constant 2 : i32
    %dma_wait3A_107 = arith.constant 0 : i32
    %dma_wait3A_108 = tpu.memref_slice %arg4[%mul3A_2, %dma_wait3A_106, %dma_wait3A_107] : memref<16384x32x128xf32, #tpu.memory_space<hbm>> -> memref<512x1x32xf32, #tpu.memory_space<hbm>>
    %dma_wait3A_109 = tpu.memref_squeeze %dma_wait3A_108 : memref<512x1x32xf32, #tpu.memory_space<hbm>> -> memref<512x32xf32, #tpu.memory_space<hbm>>
    %dma_wait3A_110 = arith.constant 0 : i32
    %dma_wait3A_111 = tpu.memref_slice %arg4[%mul3A_2, %dma_wait3A_106, %dma_wait3A_110] : memref<16384x32x128xf32, #tpu.memory_space<hbm>> -> memref<512x1x32xf32, #tpu.memory_space<hbm>>
    %dma_wait3A_112 = tpu.memref_squeeze %dma_wait3A_111 : memref<512x1x32xf32, #tpu.memory_space<hbm>> -> memref<512x32xf32, #tpu.memory_space<hbm>>
    tpu.wait_dma2 semaphore(%arg18 : memref<!tpu.dma_semaphore, #tpu.memory_space<semaphore_mem>>) src(%arg8 : memref<512x32xf32, #tpu.memory_space<vmem>>) dst(%dma_wait3A_112 : memref<512x32xf32, #tpu.memory_space<hbm>>)
    %dma_start3A_113 = arith.constant 7 : i32
    %dma_start3A_114 = arith.constant 0 : i32
    %dma_start3A_115 = tpu.memref_slice %arg5[%dma_start3A_113, %dma_start3A_114] : memref<26x512xi32, #tpu.memory_space<vmem>> -> memref<1x512xi32, #tpu.memory_space<vmem>>
    %dma_start3A_116 = tpu.memref_squeeze %dma_start3A_115 : memref<1x512xi32, #tpu.memory_space<vmem>> -> memref<512xi32, #tpu.memory_space<vmem>>
    %dma_start3A_117 = arith.constant 0 : i32
    %dma_start3A_118 = arith.constant 0 : i32
    %dma_start3A_119 = tpu.memref_slice %arg2[%dma_start3A_117, %dma_start3A_118] : memref<1000000x32xf32, #tpu.memory_space<hbm>> -> memref<1000000x32xf32, #tpu.memory_space<hbm>>
    tpu.enqueue_indirect_dma source(%dma_start3A_119 : memref<1000000x32xf32, #tpu.memory_space<hbm>>) target(%arg8 : memref<512x32xf32, #tpu.memory_space<vmem>>) offsets(%dma_start3A_116 : memref<512xi32, #tpu.memory_space<vmem>>) semaphore(%arg13 : memref<!tpu.dma_semaphore, #tpu.memory_space<semaphore_mem>>)
    %dma_wait3A_120 = arith.constant 3 : i32
    %dma_wait3A_121 = arith.constant 0 : i32
    %dma_wait3A_122 = tpu.memref_slice %arg5[%dma_wait3A_120, %dma_wait3A_121] : memref<26x512xi32, #tpu.memory_space<vmem>> -> memref<1x512xi32, #tpu.memory_space<vmem>>
    %dma_wait3A_123 = tpu.memref_squeeze %dma_wait3A_122 : memref<1x512xi32, #tpu.memory_space<vmem>> -> memref<512xi32, #tpu.memory_space<vmem>>
    %dma_wait3A_124 = arith.constant 0 : i32
    %dma_wait3A_125 = arith.constant 0 : i32
    %dma_wait3A_126 = tpu.memref_slice %arg2[%dma_wait3A_124, %dma_wait3A_125] : memref<1000000x32xf32, #tpu.memory_space<hbm>> -> memref<1000000x32xf32, #tpu.memory_space<hbm>>
    tpu.wait_indirect_dma semaphore(%arg14 : memref<!tpu.dma_semaphore, #tpu.memory_space<semaphore_mem>>) src(%dma_wait3A_126 : memref<1000000x32xf32, #tpu.memory_space<hbm>>) dst(%arg9 : memref<512x32xf32, #tpu.memory_space<vmem>>)
    %dma_start3A_127 = arith.constant 3 : i32
    %dma_start3A_128 = arith.constant 0 : i32
    %dma_start3A_129 = tpu.memref_slice %arg4[%mul3A_2, %dma_start3A_127, %dma_start3A_128] : memref<16384x32x128xf32, #tpu.memory_space<hbm>> -> memref<512x1x32xf32, #tpu.memory_space<hbm>>
    %dma_start3A_130 = tpu.memref_squeeze %dma_start3A_129 : memref<512x1x32xf32, #tpu.memory_space<hbm>> -> memref<512x32xf32, #tpu.memory_space<hbm>>
    %dma_start3A_131 = arith.constant 0 : i32
    %dma_start3A_132 = tpu.memref_slice %arg4[%mul3A_2, %dma_start3A_127, %dma_start3A_131] : memref<16384x32x128xf32, #tpu.memory_space<hbm>> -> memref<512x1x32xf32, #tpu.memory_space<hbm>>
    %dma_start3A_133 = tpu.memref_squeeze %dma_start3A_132 : memref<512x1x32xf32, #tpu.memory_space<hbm>> -> memref<512x32xf32, #tpu.memory_space<hbm>>
    tpu.enqueue_dma source(%arg9 : memref<512x32xf32, #tpu.memory_space<vmem>>) target(%dma_start3A_133 : memref<512x32xf32, #tpu.memory_space<hbm>>) target_semaphore(%arg19 : memref<!tpu.dma_semaphore, #tpu.memory_space<semaphore_mem>>)
    %dma_wait3A_134 = arith.constant 3 : i32
    %dma_wait3A_135 = arith.constant 0 : i32
    %dma_wait3A_136 = tpu.memref_slice %arg4[%mul3A_2, %dma_wait3A_134, %dma_wait3A_135] : memref<16384x32x128xf32, #tpu.memory_space<hbm>> -> memref<512x1x32xf32, #tpu.memory_space<hbm>>
    %dma_wait3A_137 = tpu.memref_squeeze %dma_wait3A_136 : memref<512x1x32xf32, #tpu.memory_space<hbm>> -> memref<512x32xf32, #tpu.memory_space<hbm>>
    %dma_wait3A_138 = arith.constant 0 : i32
    %dma_wait3A_139 = tpu.memref_slice %arg4[%mul3A_2, %dma_wait3A_134, %dma_wait3A_138] : memref<16384x32x128xf32, #tpu.memory_space<hbm>> -> memref<512x1x32xf32, #tpu.memory_space<hbm>>
    %dma_wait3A_140 = tpu.memref_squeeze %dma_wait3A_139 : memref<512x1x32xf32, #tpu.memory_space<hbm>> -> memref<512x32xf32, #tpu.memory_space<hbm>>
    tpu.wait_dma2 semaphore(%arg19 : memref<!tpu.dma_semaphore, #tpu.memory_space<semaphore_mem>>) src(%arg9 : memref<512x32xf32, #tpu.memory_space<vmem>>) dst(%dma_wait3A_140 : memref<512x32xf32, #tpu.memory_space<hbm>>)
    %dma_start3A_141 = arith.constant 8 : i32
    %dma_start3A_142 = arith.constant 0 : i32
    %dma_start3A_143 = tpu.memref_slice %arg5[%dma_start3A_141, %dma_start3A_142] : memref<26x512xi32, #tpu.memory_space<vmem>> -> memref<1x512xi32, #tpu.memory_space<vmem>>
    %dma_start3A_144 = tpu.memref_squeeze %dma_start3A_143 : memref<1x512xi32, #tpu.memory_space<vmem>> -> memref<512xi32, #tpu.memory_space<vmem>>
    %dma_start3A_145 = arith.constant 0 : i32
    %dma_start3A_146 = arith.constant 0 : i32
    %dma_start3A_147 = tpu.memref_slice %arg2[%dma_start3A_145, %dma_start3A_146] : memref<1000000x32xf32, #tpu.memory_space<hbm>> -> memref<1000000x32xf32, #tpu.memory_space<hbm>>
    tpu.enqueue_indirect_dma source(%dma_start3A_147 : memref<1000000x32xf32, #tpu.memory_space<hbm>>) target(%arg9 : memref<512x32xf32, #tpu.memory_space<vmem>>) offsets(%dma_start3A_144 : memref<512xi32, #tpu.memory_space<vmem>>) semaphore(%arg14 : memref<!tpu.dma_semaphore, #tpu.memory_space<semaphore_mem>>)
    %dma_wait3A_148 = arith.constant 4 : i32
    %dma_wait3A_149 = arith.constant 0 : i32
    %dma_wait3A_150 = tpu.memref_slice %arg5[%dma_wait3A_148, %dma_wait3A_149] : memref<26x512xi32, #tpu.memory_space<vmem>> -> memref<1x512xi32, #tpu.memory_space<vmem>>
    %dma_wait3A_151 = tpu.memref_squeeze %dma_wait3A_150 : memref<1x512xi32, #tpu.memory_space<vmem>> -> memref<512xi32, #tpu.memory_space<vmem>>
    %dma_wait3A_152 = arith.constant 0 : i32
    %dma_wait3A_153 = arith.constant 0 : i32
    %dma_wait3A_154 = tpu.memref_slice %arg2[%dma_wait3A_152, %dma_wait3A_153] : memref<1000000x32xf32, #tpu.memory_space<hbm>> -> memref<1000000x32xf32, #tpu.memory_space<hbm>>
    tpu.wait_indirect_dma semaphore(%arg15 : memref<!tpu.dma_semaphore, #tpu.memory_space<semaphore_mem>>) src(%dma_wait3A_154 : memref<1000000x32xf32, #tpu.memory_space<hbm>>) dst(%arg10 : memref<512x32xf32, #tpu.memory_space<vmem>>)
    %dma_start3A_155 = arith.constant 4 : i32
    %dma_start3A_156 = arith.constant 0 : i32
    %dma_start3A_157 = tpu.memref_slice %arg4[%mul3A_2, %dma_start3A_155, %dma_start3A_156] : memref<16384x32x128xf32, #tpu.memory_space<hbm>> -> memref<512x1x32xf32, #tpu.memory_space<hbm>>
    %dma_start3A_158 = tpu.memref_squeeze %dma_start3A_157 : memref<512x1x32xf32, #tpu.memory_space<hbm>> -> memref<512x32xf32, #tpu.memory_space<hbm>>
    %dma_start3A_159 = arith.constant 0 : i32
    %dma_start3A_160 = tpu.memref_slice %arg4[%mul3A_2, %dma_start3A_155, %dma_start3A_159] : memref<16384x32x128xf32, #tpu.memory_space<hbm>> -> memref<512x1x32xf32, #tpu.memory_space<hbm>>
    %dma_start3A_161 = tpu.memref_squeeze %dma_start3A_160 : memref<512x1x32xf32, #tpu.memory_space<hbm>> -> memref<512x32xf32, #tpu.memory_space<hbm>>
    tpu.enqueue_dma source(%arg10 : memref<512x32xf32, #tpu.memory_space<vmem>>) target(%dma_start3A_161 : memref<512x32xf32, #tpu.memory_space<hbm>>) target_semaphore(%arg20 : memref<!tpu.dma_semaphore, #tpu.memory_space<semaphore_mem>>)
    %dma_wait3A_162 = arith.constant 4 : i32
    %dma_wait3A_163 = arith.constant 0 : i32
    %dma_wait3A_164 = tpu.memref_slice %arg4[%mul3A_2, %dma_wait3A_162, %dma_wait3A_163] : memref<16384x32x128xf32, #tpu.memory_space<hbm>> -> memref<512x1x32xf32, #tpu.memory_space<hbm>>
    %dma_wait3A_165 = tpu.memref_squeeze %dma_wait3A_164 : memref<512x1x32xf32, #tpu.memory_space<hbm>> -> memref<512x32xf32, #tpu.memory_space<hbm>>
    %dma_wait3A_166 = arith.constant 0 : i32
    %dma_wait3A_167 = tpu.memref_slice %arg4[%mul3A_2, %dma_wait3A_162, %dma_wait3A_166] : memref<16384x32x128xf32, #tpu.memory_space<hbm>> -> memref<512x1x32xf32, #tpu.memory_space<hbm>>
    %dma_wait3A_168 = tpu.memref_squeeze %dma_wait3A_167 : memref<512x1x32xf32, #tpu.memory_space<hbm>> -> memref<512x32xf32, #tpu.memory_space<hbm>>
    tpu.wait_dma2 semaphore(%arg20 : memref<!tpu.dma_semaphore, #tpu.memory_space<semaphore_mem>>) src(%arg10 : memref<512x32xf32, #tpu.memory_space<vmem>>) dst(%dma_wait3A_168 : memref<512x32xf32, #tpu.memory_space<hbm>>)
    %dma_start3A_169 = arith.constant 9 : i32
    %dma_start3A_170 = arith.constant 0 : i32
    %dma_start3A_171 = tpu.memref_slice %arg5[%dma_start3A_169, %dma_start3A_170] : memref<26x512xi32, #tpu.memory_space<vmem>> -> memref<1x512xi32, #tpu.memory_space<vmem>>
    %dma_start3A_172 = tpu.memref_squeeze %dma_start3A_171 : memref<1x512xi32, #tpu.memory_space<vmem>> -> memref<512xi32, #tpu.memory_space<vmem>>
    %dma_start3A_173 = arith.constant 0 : i32
    %dma_start3A_174 = arith.constant 0 : i32
    %dma_start3A_175 = tpu.memref_slice %arg2[%dma_start3A_173, %dma_start3A_174] : memref<1000000x32xf32, #tpu.memory_space<hbm>> -> memref<1000000x32xf32, #tpu.memory_space<hbm>>
    tpu.enqueue_indirect_dma source(%dma_start3A_175 : memref<1000000x32xf32, #tpu.memory_space<hbm>>) target(%arg10 : memref<512x32xf32, #tpu.memory_space<vmem>>) offsets(%dma_start3A_172 : memref<512xi32, #tpu.memory_space<vmem>>) semaphore(%arg15 : memref<!tpu.dma_semaphore, #tpu.memory_space<semaphore_mem>>)
    %dma_wait3A_176 = arith.constant 5 : i32
    %dma_wait3A_177 = arith.constant 0 : i32
    %dma_wait3A_178 = tpu.memref_slice %arg5[%dma_wait3A_176, %dma_wait3A_177] : memref<26x512xi32, #tpu.memory_space<vmem>> -> memref<1x512xi32, #tpu.memory_space<vmem>>
    %dma_wait3A_179 = tpu.memref_squeeze %dma_wait3A_178 : memref<1x512xi32, #tpu.memory_space<vmem>> -> memref<512xi32, #tpu.memory_space<vmem>>
    %dma_wait3A_180 = arith.constant 0 : i32
    %dma_wait3A_181 = arith.constant 0 : i32
    %dma_wait3A_182 = tpu.memref_slice %arg2[%dma_wait3A_180, %dma_wait3A_181] : memref<1000000x32xf32, #tpu.memory_space<hbm>> -> memref<1000000x32xf32, #tpu.memory_space<hbm>>
    tpu.wait_indirect_dma semaphore(%arg11 : memref<!tpu.dma_semaphore, #tpu.memory_space<semaphore_mem>>) src(%dma_wait3A_182 : memref<1000000x32xf32, #tpu.memory_space<hbm>>) dst(%arg6 : memref<512x32xf32, #tpu.memory_space<vmem>>)
    %dma_start3A_183 = arith.constant 5 : i32
    %dma_start3A_184 = arith.constant 0 : i32
    %dma_start3A_185 = tpu.memref_slice %arg4[%mul3A_2, %dma_start3A_183, %dma_start3A_184] : memref<16384x32x128xf32, #tpu.memory_space<hbm>> -> memref<512x1x32xf32, #tpu.memory_space<hbm>>
    %dma_start3A_186 = tpu.memref_squeeze %dma_start3A_185 : memref<512x1x32xf32, #tpu.memory_space<hbm>> -> memref<512x32xf32, #tpu.memory_space<hbm>>
    %dma_start3A_187 = arith.constant 0 : i32
    %dma_start3A_188 = tpu.memref_slice %arg4[%mul3A_2, %dma_start3A_183, %dma_start3A_187] : memref<16384x32x128xf32, #tpu.memory_space<hbm>> -> memref<512x1x32xf32, #tpu.memory_space<hbm>>
    %dma_start3A_189 = tpu.memref_squeeze %dma_start3A_188 : memref<512x1x32xf32, #tpu.memory_space<hbm>> -> memref<512x32xf32, #tpu.memory_space<hbm>>
    tpu.enqueue_dma source(%arg6 : memref<512x32xf32, #tpu.memory_space<vmem>>) target(%dma_start3A_189 : memref<512x32xf32, #tpu.memory_space<hbm>>) target_semaphore(%arg16 : memref<!tpu.dma_semaphore, #tpu.memory_space<semaphore_mem>>)
    %dma_wait3A_190 = arith.constant 5 : i32
    %dma_wait3A_191 = arith.constant 0 : i32
    %dma_wait3A_192 = tpu.memref_slice %arg4[%mul3A_2, %dma_wait3A_190, %dma_wait3A_191] : memref<16384x32x128xf32, #tpu.memory_space<hbm>> -> memref<512x1x32xf32, #tpu.memory_space<hbm>>
    %dma_wait3A_193 = tpu.memref_squeeze %dma_wait3A_192 : memref<512x1x32xf32, #tpu.memory_space<hbm>> -> memref<512x32xf32, #tpu.memory_space<hbm>>
    %dma_wait3A_194 = arith.constant 0 : i32
    %dma_wait3A_195 = tpu.memref_slice %arg4[%mul3A_2, %dma_wait3A_190, %dma_wait3A_194] : memref<16384x32x128xf32, #tpu.memory_space<hbm>> -> memref<512x1x32xf32, #tpu.memory_space<hbm>>
    %dma_wait3A_196 = tpu.memref_squeeze %dma_wait3A_195 : memref<512x1x32xf32, #tpu.memory_space<hbm>> -> memref<512x32xf32, #tpu.memory_space<hbm>>
    tpu.wait_dma2 semaphore(%arg16 : memref<!tpu.dma_semaphore, #tpu.memory_space<semaphore_mem>>) src(%arg6 : memref<512x32xf32, #tpu.memory_space<vmem>>) dst(%dma_wait3A_196 : memref<512x32xf32, #tpu.memory_space<hbm>>)
    %dma_start3A_197 = arith.constant 10 : i32
    %dma_start3A_198 = arith.constant 0 : i32
    %dma_start3A_199 = tpu.memref_slice %arg5[%dma_start3A_197, %dma_start3A_198] : memref<26x512xi32, #tpu.memory_space<vmem>> -> memref<1x512xi32, #tpu.memory_space<vmem>>
    %dma_start3A_200 = tpu.memref_squeeze %dma_start3A_199 : memref<1x512xi32, #tpu.memory_space<vmem>> -> memref<512xi32, #tpu.memory_space<vmem>>
    %dma_start3A_201 = arith.constant 0 : i32
    %dma_start3A_202 = arith.constant 0 : i32
    %dma_start3A_203 = tpu.memref_slice %arg2[%dma_start3A_201, %dma_start3A_202] : memref<1000000x32xf32, #tpu.memory_space<hbm>> -> memref<1000000x32xf32, #tpu.memory_space<hbm>>
    tpu.enqueue_indirect_dma source(%dma_start3A_203 : memref<1000000x32xf32, #tpu.memory_space<hbm>>) target(%arg6 : memref<512x32xf32, #tpu.memory_space<vmem>>) offsets(%dma_start3A_200 : memref<512xi32, #tpu.memory_space<vmem>>) semaphore(%arg11 : memref<!tpu.dma_semaphore, #tpu.memory_space<semaphore_mem>>)
    %dma_wait3A_204 = arith.constant 6 : i32
    %dma_wait3A_205 = arith.constant 0 : i32
    %dma_wait3A_206 = tpu.memref_slice %arg5[%dma_wait3A_204, %dma_wait3A_205] : memref<26x512xi32, #tpu.memory_space<vmem>> -> memref<1x512xi32, #tpu.memory_space<vmem>>
    %dma_wait3A_207 = tpu.memref_squeeze %dma_wait3A_206 : memref<1x512xi32, #tpu.memory_space<vmem>> -> memref<512xi32, #tpu.memory_space<vmem>>
    %dma_wait3A_208 = arith.constant 0 : i32
    %dma_wait3A_209 = arith.constant 0 : i32
    %dma_wait3A_210 = tpu.memref_slice %arg2[%dma_wait3A_208, %dma_wait3A_209] : memref<1000000x32xf32, #tpu.memory_space<hbm>> -> memref<1000000x32xf32, #tpu.memory_space<hbm>>
    tpu.wait_indirect_dma semaphore(%arg12 : memref<!tpu.dma_semaphore, #tpu.memory_space<semaphore_mem>>) src(%dma_wait3A_210 : memref<1000000x32xf32, #tpu.memory_space<hbm>>) dst(%arg7 : memref<512x32xf32, #tpu.memory_space<vmem>>)
    %dma_start3A_211 = arith.constant 6 : i32
    %dma_start3A_212 = arith.constant 0 : i32
    %dma_start3A_213 = tpu.memref_slice %arg4[%mul3A_2, %dma_start3A_211, %dma_start3A_212] : memref<16384x32x128xf32, #tpu.memory_space<hbm>> -> memref<512x1x32xf32, #tpu.memory_space<hbm>>
    %dma_start3A_214 = tpu.memref_squeeze %dma_start3A_213 : memref<512x1x32xf32, #tpu.memory_space<hbm>> -> memref<512x32xf32, #tpu.memory_space<hbm>>
    %dma_start3A_215 = arith.constant 0 : i32
    %dma_start3A_216 = tpu.memref_slice %arg4[%mul3A_2, %dma_start3A_211, %dma_start3A_215] : memref<16384x32x128xf32, #tpu.memory_space<hbm>> -> memref<512x1x32xf32, #tpu.memory_space<hbm>>
    %dma_start3A_217 = tpu.memref_squeeze %dma_start3A_216 : memref<512x1x32xf32, #tpu.memory_space<hbm>> -> memref<512x32xf32, #tpu.memory_space<hbm>>
    tpu.enqueue_dma source(%arg7 : memref<512x32xf32, #tpu.memory_space<vmem>>) target(%dma_start3A_217 : memref<512x32xf32, #tpu.memory_space<hbm>>) target_semaphore(%arg17 : memref<!tpu.dma_semaphore, #tpu.memory_space<semaphore_mem>>)
    %dma_wait3A_218 = arith.constant 6 : i32
    %dma_wait3A_219 = arith.constant 0 : i32
    %dma_wait3A_220 = tpu.memref_slice %arg4[%mul3A_2, %dma_wait3A_218, %dma_wait3A_219] : memref<16384x32x128xf32, #tpu.memory_space<hbm>> -> memref<512x1x32xf32, #tpu.memory_space<hbm>>
    %dma_wait3A_221 = tpu.memref_squeeze %dma_wait3A_220 : memref<512x1x32xf32, #tpu.memory_space<hbm>> -> memref<512x32xf32, #tpu.memory_space<hbm>>
    %dma_wait3A_222 = arith.constant 0 : i32
    %dma_wait3A_223 = tpu.memref_slice %arg4[%mul3A_2, %dma_wait3A_218, %dma_wait3A_222] : memref<16384x32x128xf32, #tpu.memory_space<hbm>> -> memref<512x1x32xf32, #tpu.memory_space<hbm>>
    %dma_wait3A_224 = tpu.memref_squeeze %dma_wait3A_223 : memref<512x1x32xf32, #tpu.memory_space<hbm>> -> memref<512x32xf32, #tpu.memory_space<hbm>>
    tpu.wait_dma2 semaphore(%arg17 : memref<!tpu.dma_semaphore, #tpu.memory_space<semaphore_mem>>) src(%arg7 : memref<512x32xf32, #tpu.memory_space<vmem>>) dst(%dma_wait3A_224 : memref<512x32xf32, #tpu.memory_space<hbm>>)
    %dma_start3A_225 = arith.constant 11 : i32
    %dma_start3A_226 = arith.constant 0 : i32
    %dma_start3A_227 = tpu.memref_slice %arg5[%dma_start3A_225, %dma_start3A_226] : memref<26x512xi32, #tpu.memory_space<vmem>> -> memref<1x512xi32, #tpu.memory_space<vmem>>
    %dma_start3A_228 = tpu.memref_squeeze %dma_start3A_227 : memref<1x512xi32, #tpu.memory_space<vmem>> -> memref<512xi32, #tpu.memory_space<vmem>>
    %dma_start3A_229 = arith.constant 0 : i32
    %dma_start3A_230 = arith.constant 0 : i32
    %dma_start3A_231 = tpu.memref_slice %arg2[%dma_start3A_229, %dma_start3A_230] : memref<1000000x32xf32, #tpu.memory_space<hbm>> -> memref<1000000x32xf32, #tpu.memory_space<hbm>>
    tpu.enqueue_indirect_dma source(%dma_start3A_231 : memref<1000000x32xf32, #tpu.memory_space<hbm>>) target(%arg7 : memref<512x32xf32, #tpu.memory_space<vmem>>) offsets(%dma_start3A_228 : memref<512xi32, #tpu.memory_space<vmem>>) semaphore(%arg12 : memref<!tpu.dma_semaphore, #tpu.memory_space<semaphore_mem>>)
    %dma_wait3A_232 = arith.constant 7 : i32
    %dma_wait3A_233 = arith.constant 0 : i32
    %dma_wait3A_234 = tpu.memref_slice %arg5[%dma_wait3A_232, %dma_wait3A_233] : memref<26x512xi32, #tpu.memory_space<vmem>> -> memref<1x512xi32, #tpu.memory_space<vmem>>
    %dma_wait3A_235 = tpu.memref_squeeze %dma_wait3A_234 : memref<1x512xi32, #tpu.memory_space<vmem>> -> memref<512xi32, #tpu.memory_space<vmem>>
    %dma_wait3A_236 = arith.constant 0 : i32
    %dma_wait3A_237 = arith.constant 0 : i32
    %dma_wait3A_238 = tpu.memref_slice %arg2[%dma_wait3A_236, %dma_wait3A_237] : memref<1000000x32xf32, #tpu.memory_space<hbm>> -> memref<1000000x32xf32, #tpu.memory_space<hbm>>
    tpu.wait_indirect_dma semaphore(%arg13 : memref<!tpu.dma_semaphore, #tpu.memory_space<semaphore_mem>>) src(%dma_wait3A_238 : memref<1000000x32xf32, #tpu.memory_space<hbm>>) dst(%arg8 : memref<512x32xf32, #tpu.memory_space<vmem>>)
    %dma_start3A_239 = arith.constant 7 : i32
    %dma_start3A_240 = arith.constant 0 : i32
    %dma_start3A_241 = tpu.memref_slice %arg4[%mul3A_2, %dma_start3A_239, %dma_start3A_240] : memref<16384x32x128xf32, #tpu.memory_space<hbm>> -> memref<512x1x32xf32, #tpu.memory_space<hbm>>
    %dma_start3A_242 = tpu.memref_squeeze %dma_start3A_241 : memref<512x1x32xf32, #tpu.memory_space<hbm>> -> memref<512x32xf32, #tpu.memory_space<hbm>>
    %dma_start3A_243 = arith.constant 0 : i32
    %dma_start3A_244 = tpu.memref_slice %arg4[%mul3A_2, %dma_start3A_239, %dma_start3A_243] : memref<16384x32x128xf32, #tpu.memory_space<hbm>> -> memref<512x1x32xf32, #tpu.memory_space<hbm>>
    %dma_start3A_245 = tpu.memref_squeeze %dma_start3A_244 : memref<512x1x32xf32, #tpu.memory_space<hbm>> -> memref<512x32xf32, #tpu.memory_space<hbm>>
    tpu.enqueue_dma source(%arg8 : memref<512x32xf32, #tpu.memory_space<vmem>>) target(%dma_start3A_245 : memref<512x32xf32, #tpu.memory_space<hbm>>) target_semaphore(%arg18 : memref<!tpu.dma_semaphore, #tpu.memory_space<semaphore_mem>>)
    %dma_wait3A_246 = arith.constant 7 : i32
    %dma_wait3A_247 = arith.constant 0 : i32
    %dma_wait3A_248 = tpu.memref_slice %arg4[%mul3A_2, %dma_wait3A_246, %dma_wait3A_247] : memref<16384x32x128xf32, #tpu.memory_space<hbm>> -> memref<512x1x32xf32, #tpu.memory_space<hbm>>
    %dma_wait3A_249 = tpu.memref_squeeze %dma_wait3A_248 : memref<512x1x32xf32, #tpu.memory_space<hbm>> -> memref<512x32xf32, #tpu.memory_space<hbm>>
    %dma_wait3A_250 = arith.constant 0 : i32
    %dma_wait3A_251 = tpu.memref_slice %arg4[%mul3A_2, %dma_wait3A_246, %dma_wait3A_250] : memref<16384x32x128xf32, #tpu.memory_space<hbm>> -> memref<512x1x32xf32, #tpu.memory_space<hbm>>
    %dma_wait3A_252 = tpu.memref_squeeze %dma_wait3A_251 : memref<512x1x32xf32, #tpu.memory_space<hbm>> -> memref<512x32xf32, #tpu.memory_space<hbm>>
    tpu.wait_dma2 semaphore(%arg18 : memref<!tpu.dma_semaphore, #tpu.memory_space<semaphore_mem>>) src(%arg8 : memref<512x32xf32, #tpu.memory_space<vmem>>) dst(%dma_wait3A_252 : memref<512x32xf32, #tpu.memory_space<hbm>>)
    %dma_start3A_253 = arith.constant 12 : i32
    %dma_start3A_254 = arith.constant 0 : i32
    %dma_start3A_255 = tpu.memref_slice %arg5[%dma_start3A_253, %dma_start3A_254] : memref<26x512xi32, #tpu.memory_space<vmem>> -> memref<1x512xi32, #tpu.memory_space<vmem>>
    %dma_start3A_256 = tpu.memref_squeeze %dma_start3A_255 : memref<1x512xi32, #tpu.memory_space<vmem>> -> memref<512xi32, #tpu.memory_space<vmem>>
    %dma_start3A_257 = arith.constant 0 : i32
    %dma_start3A_258 = arith.constant 0 : i32
    %dma_start3A_259 = tpu.memref_slice %arg2[%dma_start3A_257, %dma_start3A_258] : memref<1000000x32xf32, #tpu.memory_space<hbm>> -> memref<1000000x32xf32, #tpu.memory_space<hbm>>
    tpu.enqueue_indirect_dma source(%dma_start3A_259 : memref<1000000x32xf32, #tpu.memory_space<hbm>>) target(%arg8 : memref<512x32xf32, #tpu.memory_space<vmem>>) offsets(%dma_start3A_256 : memref<512xi32, #tpu.memory_space<vmem>>) semaphore(%arg13 : memref<!tpu.dma_semaphore, #tpu.memory_space<semaphore_mem>>)
    %dma_wait3A_260 = arith.constant 8 : i32
    %dma_wait3A_261 = arith.constant 0 : i32
    %dma_wait3A_262 = tpu.memref_slice %arg5[%dma_wait3A_260, %dma_wait3A_261] : memref<26x512xi32, #tpu.memory_space<vmem>> -> memref<1x512xi32, #tpu.memory_space<vmem>>
    %dma_wait3A_263 = tpu.memref_squeeze %dma_wait3A_262 : memref<1x512xi32, #tpu.memory_space<vmem>> -> memref<512xi32, #tpu.memory_space<vmem>>
    %dma_wait3A_264 = arith.constant 0 : i32
    %dma_wait3A_265 = arith.constant 0 : i32
    %dma_wait3A_266 = tpu.memref_slice %arg2[%dma_wait3A_264, %dma_wait3A_265] : memref<1000000x32xf32, #tpu.memory_space<hbm>> -> memref<1000000x32xf32, #tpu.memory_space<hbm>>
    tpu.wait_indirect_dma semaphore(%arg14 : memref<!tpu.dma_semaphore, #tpu.memory_space<semaphore_mem>>) src(%dma_wait3A_266 : memref<1000000x32xf32, #tpu.memory_space<hbm>>) dst(%arg9 : memref<512x32xf32, #tpu.memory_space<vmem>>)
    %dma_start3A_267 = arith.constant 8 : i32
    %dma_start3A_268 = arith.constant 0 : i32
    %dma_start3A_269 = tpu.memref_slice %arg4[%mul3A_2, %dma_start3A_267, %dma_start3A_268] : memref<16384x32x128xf32, #tpu.memory_space<hbm>> -> memref<512x1x32xf32, #tpu.memory_space<hbm>>
    %dma_start3A_270 = tpu.memref_squeeze %dma_start3A_269 : memref<512x1x32xf32, #tpu.memory_space<hbm>> -> memref<512x32xf32, #tpu.memory_space<hbm>>
    %dma_start3A_271 = arith.constant 0 : i32
    %dma_start3A_272 = tpu.memref_slice %arg4[%mul3A_2, %dma_start3A_267, %dma_start3A_271] : memref<16384x32x128xf32, #tpu.memory_space<hbm>> -> memref<512x1x32xf32, #tpu.memory_space<hbm>>
    %dma_start3A_273 = tpu.memref_squeeze %dma_start3A_272 : memref<512x1x32xf32, #tpu.memory_space<hbm>> -> memref<512x32xf32, #tpu.memory_space<hbm>>
    tpu.enqueue_dma source(%arg9 : memref<512x32xf32, #tpu.memory_space<vmem>>) target(%dma_start3A_273 : memref<512x32xf32, #tpu.memory_space<hbm>>) target_semaphore(%arg19 : memref<!tpu.dma_semaphore, #tpu.memory_space<semaphore_mem>>)
    %dma_wait3A_274 = arith.constant 8 : i32
    %dma_wait3A_275 = arith.constant 0 : i32
    %dma_wait3A_276 = tpu.memref_slice %arg4[%mul3A_2, %dma_wait3A_274, %dma_wait3A_275] : memref<16384x32x128xf32, #tpu.memory_space<hbm>> -> memref<512x1x32xf32, #tpu.memory_space<hbm>>
    %dma_wait3A_277 = tpu.memref_squeeze %dma_wait3A_276 : memref<512x1x32xf32, #tpu.memory_space<hbm>> -> memref<512x32xf32, #tpu.memory_space<hbm>>
    %dma_wait3A_278 = arith.constant 0 : i32
    %dma_wait3A_279 = tpu.memref_slice %arg4[%mul3A_2, %dma_wait3A_274, %dma_wait3A_278] : memref<16384x32x128xf32, #tpu.memory_space<hbm>> -> memref<512x1x32xf32, #tpu.memory_space<hbm>>
    %dma_wait3A_280 = tpu.memref_squeeze %dma_wait3A_279 : memref<512x1x32xf32, #tpu.memory_space<hbm>> -> memref<512x32xf32, #tpu.memory_space<hbm>>
    tpu.wait_dma2 semaphore(%arg19 : memref<!tpu.dma_semaphore, #tpu.memory_space<semaphore_mem>>) src(%arg9 : memref<512x32xf32, #tpu.memory_space<vmem>>) dst(%dma_wait3A_280 : memref<512x32xf32, #tpu.memory_space<hbm>>)
    %dma_start3A_281 = arith.constant 13 : i32
    %dma_start3A_282 = arith.constant 0 : i32
    %dma_start3A_283 = tpu.memref_slice %arg5[%dma_start3A_281, %dma_start3A_282] : memref<26x512xi32, #tpu.memory_space<vmem>> -> memref<1x512xi32, #tpu.memory_space<vmem>>
    %dma_start3A_284 = tpu.memref_squeeze %dma_start3A_283 : memref<1x512xi32, #tpu.memory_space<vmem>> -> memref<512xi32, #tpu.memory_space<vmem>>
    %dma_start3A_285 = arith.constant 0 : i32
    %dma_start3A_286 = arith.constant 0 : i32
    %dma_start3A_287 = tpu.memref_slice %arg2[%dma_start3A_285, %dma_start3A_286] : memref<1000000x32xf32, #tpu.memory_space<hbm>> -> memref<1000000x32xf32, #tpu.memory_space<hbm>>
    tpu.enqueue_indirect_dma source(%dma_start3A_287 : memref<1000000x32xf32, #tpu.memory_space<hbm>>) target(%arg9 : memref<512x32xf32, #tpu.memory_space<vmem>>) offsets(%dma_start3A_284 : memref<512xi32, #tpu.memory_space<vmem>>) semaphore(%arg14 : memref<!tpu.dma_semaphore, #tpu.memory_space<semaphore_mem>>)
    %dma_wait3A_288 = arith.constant 9 : i32
    %dma_wait3A_289 = arith.constant 0 : i32
    %dma_wait3A_290 = tpu.memref_slice %arg5[%dma_wait3A_288, %dma_wait3A_289] : memref<26x512xi32, #tpu.memory_space<vmem>> -> memref<1x512xi32, #tpu.memory_space<vmem>>
    %dma_wait3A_291 = tpu.memref_squeeze %dma_wait3A_290 : memref<1x512xi32, #tpu.memory_space<vmem>> -> memref<512xi32, #tpu.memory_space<vmem>>
    %dma_wait3A_292 = arith.constant 0 : i32
    %dma_wait3A_293 = arith.constant 0 : i32
    %dma_wait3A_294 = tpu.memref_slice %arg2[%dma_wait3A_292, %dma_wait3A_293] : memref<1000000x32xf32, #tpu.memory_space<hbm>> -> memref<1000000x32xf32, #tpu.memory_space<hbm>>
    tpu.wait_indirect_dma semaphore(%arg15 : memref<!tpu.dma_semaphore, #tpu.memory_space<semaphore_mem>>) src(%dma_wait3A_294 : memref<1000000x32xf32, #tpu.memory_space<hbm>>) dst(%arg10 : memref<512x32xf32, #tpu.memory_space<vmem>>)
    %dma_start3A_295 = arith.constant 9 : i32
    %dma_start3A_296 = arith.constant 0 : i32
    %dma_start3A_297 = tpu.memref_slice %arg4[%mul3A_2, %dma_start3A_295, %dma_start3A_296] : memref<16384x32x128xf32, #tpu.memory_space<hbm>> -> memref<512x1x32xf32, #tpu.memory_space<hbm>>
    %dma_start3A_298 = tpu.memref_squeeze %dma_start3A_297 : memref<512x1x32xf32, #tpu.memory_space<hbm>> -> memref<512x32xf32, #tpu.memory_space<hbm>>
    %dma_start3A_299 = arith.constant 0 : i32
    %dma_start3A_300 = tpu.memref_slice %arg4[%mul3A_2, %dma_start3A_295, %dma_start3A_299] : memref<16384x32x128xf32, #tpu.memory_space<hbm>> -> memref<512x1x32xf32, #tpu.memory_space<hbm>>
    %dma_start3A_301 = tpu.memref_squeeze %dma_start3A_300 : memref<512x1x32xf32, #tpu.memory_space<hbm>> -> memref<512x32xf32, #tpu.memory_space<hbm>>
    tpu.enqueue_dma source(%arg10 : memref<512x32xf32, #tpu.memory_space<vmem>>) target(%dma_start3A_301 : memref<512x32xf32, #tpu.memory_space<hbm>>) target_semaphore(%arg20 : memref<!tpu.dma_semaphore, #tpu.memory_space<semaphore_mem>>)
    %dma_wait3A_302 = arith.constant 9 : i32
    %dma_wait3A_303 = arith.constant 0 : i32
    %dma_wait3A_304 = tpu.memref_slice %arg4[%mul3A_2, %dma_wait3A_302, %dma_wait3A_303] : memref<16384x32x128xf32, #tpu.memory_space<hbm>> -> memref<512x1x32xf32, #tpu.memory_space<hbm>>
    %dma_wait3A_305 = tpu.memref_squeeze %dma_wait3A_304 : memref<512x1x32xf32, #tpu.memory_space<hbm>> -> memref<512x32xf32, #tpu.memory_space<hbm>>
    %dma_wait3A_306 = arith.constant 0 : i32
    %dma_wait3A_307 = tpu.memref_slice %arg4[%mul3A_2, %dma_wait3A_302, %dma_wait3A_306] : memref<16384x32x128xf32, #tpu.memory_space<hbm>> -> memref<512x1x32xf32, #tpu.memory_space<hbm>>
    %dma_wait3A_308 = tpu.memref_squeeze %dma_wait3A_307 : memref<512x1x32xf32, #tpu.memory_space<hbm>> -> memref<512x32xf32, #tpu.memory_space<hbm>>
    tpu.wait_dma2 semaphore(%arg20 : memref<!tpu.dma_semaphore, #tpu.memory_space<semaphore_mem>>) src(%arg10 : memref<512x32xf32, #tpu.memory_space<vmem>>) dst(%dma_wait3A_308 : memref<512x32xf32, #tpu.memory_space<hbm>>)
    %dma_start3A_309 = arith.constant 14 : i32
    %dma_start3A_310 = arith.constant 0 : i32
    %dma_start3A_311 = tpu.memref_slice %arg5[%dma_start3A_309, %dma_start3A_310] : memref<26x512xi32, #tpu.memory_space<vmem>> -> memref<1x512xi32, #tpu.memory_space<vmem>>
    %dma_start3A_312 = tpu.memref_squeeze %dma_start3A_311 : memref<1x512xi32, #tpu.memory_space<vmem>> -> memref<512xi32, #tpu.memory_space<vmem>>
    %dma_start3A_313 = arith.constant 0 : i32
    %dma_start3A_314 = arith.constant 0 : i32
    %dma_start3A_315 = tpu.memref_slice %arg2[%dma_start3A_313, %dma_start3A_314] : memref<1000000x32xf32, #tpu.memory_space<hbm>> -> memref<1000000x32xf32, #tpu.memory_space<hbm>>
    tpu.enqueue_indirect_dma source(%dma_start3A_315 : memref<1000000x32xf32, #tpu.memory_space<hbm>>) target(%arg10 : memref<512x32xf32, #tpu.memory_space<vmem>>) offsets(%dma_start3A_312 : memref<512xi32, #tpu.memory_space<vmem>>) semaphore(%arg15 : memref<!tpu.dma_semaphore, #tpu.memory_space<semaphore_mem>>)
    %dma_wait3A_316 = arith.constant 10 : i32
    %dma_wait3A_317 = arith.constant 0 : i32
    %dma_wait3A_318 = tpu.memref_slice %arg5[%dma_wait3A_316, %dma_wait3A_317] : memref<26x512xi32, #tpu.memory_space<vmem>> -> memref<1x512xi32, #tpu.memory_space<vmem>>
    %dma_wait3A_319 = tpu.memref_squeeze %dma_wait3A_318 : memref<1x512xi32, #tpu.memory_space<vmem>> -> memref<512xi32, #tpu.memory_space<vmem>>
    %dma_wait3A_320 = arith.constant 0 : i32
    %dma_wait3A_321 = arith.constant 0 : i32
    %dma_wait3A_322 = tpu.memref_slice %arg2[%dma_wait3A_320, %dma_wait3A_321] : memref<1000000x32xf32, #tpu.memory_space<hbm>> -> memref<1000000x32xf32, #tpu.memory_space<hbm>>
    tpu.wait_indirect_dma semaphore(%arg11 : memref<!tpu.dma_semaphore, #tpu.memory_space<semaphore_mem>>) src(%dma_wait3A_322 : memref<1000000x32xf32, #tpu.memory_space<hbm>>) dst(%arg6 : memref<512x32xf32, #tpu.memory_space<vmem>>)
    %dma_start3A_323 = arith.constant 10 : i32
    %dma_start3A_324 = arith.constant 0 : i32
    %dma_start3A_325 = tpu.memref_slice %arg4[%mul3A_2, %dma_start3A_323, %dma_start3A_324] : memref<16384x32x128xf32, #tpu.memory_space<hbm>> -> memref<512x1x32xf32, #tpu.memory_space<hbm>>
    %dma_start3A_326 = tpu.memref_squeeze %dma_start3A_325 : memref<512x1x32xf32, #tpu.memory_space<hbm>> -> memref<512x32xf32, #tpu.memory_space<hbm>>
    %dma_start3A_327 = arith.constant 0 : i32
    %dma_start3A_328 = tpu.memref_slice %arg4[%mul3A_2, %dma_start3A_323, %dma_start3A_327] : memref<16384x32x128xf32, #tpu.memory_space<hbm>> -> memref<512x1x32xf32, #tpu.memory_space<hbm>>
    %dma_start3A_329 = tpu.memref_squeeze %dma_start3A_328 : memref<512x1x32xf32, #tpu.memory_space<hbm>> -> memref<512x32xf32, #tpu.memory_space<hbm>>
    tpu.enqueue_dma source(%arg6 : memref<512x32xf32, #tpu.memory_space<vmem>>) target(%dma_start3A_329 : memref<512x32xf32, #tpu.memory_space<hbm>>) target_semaphore(%arg16 : memref<!tpu.dma_semaphore, #tpu.memory_space<semaphore_mem>>)
    %dma_wait3A_330 = arith.constant 10 : i32
    %dma_wait3A_331 = arith.constant 0 : i32
    %dma_wait3A_332 = tpu.memref_slice %arg4[%mul3A_2, %dma_wait3A_330, %dma_wait3A_331] : memref<16384x32x128xf32, #tpu.memory_space<hbm>> -> memref<512x1x32xf32, #tpu.memory_space<hbm>>
    %dma_wait3A_333 = tpu.memref_squeeze %dma_wait3A_332 : memref<512x1x32xf32, #tpu.memory_space<hbm>> -> memref<512x32xf32, #tpu.memory_space<hbm>>
    %dma_wait3A_334 = arith.constant 0 : i32
    %dma_wait3A_335 = tpu.memref_slice %arg4[%mul3A_2, %dma_wait3A_330, %dma_wait3A_334] : memref<16384x32x128xf32, #tpu.memory_space<hbm>> -> memref<512x1x32xf32, #tpu.memory_space<hbm>>
    %dma_wait3A_336 = tpu.memref_squeeze %dma_wait3A_335 : memref<512x1x32xf32, #tpu.memory_space<hbm>> -> memref<512x32xf32, #tpu.memory_space<hbm>>
    tpu.wait_dma2 semaphore(%arg16 : memref<!tpu.dma_semaphore, #tpu.memory_space<semaphore_mem>>) src(%arg6 : memref<512x32xf32, #tpu.memory_space<vmem>>) dst(%dma_wait3A_336 : memref<512x32xf32, #tpu.memory_space<hbm>>)
    %dma_start3A_337 = arith.constant 15 : i32
    %dma_start3A_338 = arith.constant 0 : i32
    %dma_start3A_339 = tpu.memref_slice %arg5[%dma_start3A_337, %dma_start3A_338] : memref<26x512xi32, #tpu.memory_space<vmem>> -> memref<1x512xi32, #tpu.memory_space<vmem>>
    %dma_start3A_340 = tpu.memref_squeeze %dma_start3A_339 : memref<1x512xi32, #tpu.memory_space<vmem>> -> memref<512xi32, #tpu.memory_space<vmem>>
    %dma_start3A_341 = arith.constant 0 : i32
    %dma_start3A_342 = arith.constant 0 : i32
    %dma_start3A_343 = tpu.memref_slice %arg2[%dma_start3A_341, %dma_start3A_342] : memref<1000000x32xf32, #tpu.memory_space<hbm>> -> memref<1000000x32xf32, #tpu.memory_space<hbm>>
    tpu.enqueue_indirect_dma source(%dma_start3A_343 : memref<1000000x32xf32, #tpu.memory_space<hbm>>) target(%arg6 : memref<512x32xf32, #tpu.memory_space<vmem>>) offsets(%dma_start3A_340 : memref<512xi32, #tpu.memory_space<vmem>>) semaphore(%arg11 : memref<!tpu.dma_semaphore, #tpu.memory_space<semaphore_mem>>)
    %dma_wait3A_344 = arith.constant 11 : i32
    %dma_wait3A_345 = arith.constant 0 : i32
    %dma_wait3A_346 = tpu.memref_slice %arg5[%dma_wait3A_344, %dma_wait3A_345] : memref<26x512xi32, #tpu.memory_space<vmem>> -> memref<1x512xi32, #tpu.memory_space<vmem>>
    %dma_wait3A_347 = tpu.memref_squeeze %dma_wait3A_346 : memref<1x512xi32, #tpu.memory_space<vmem>> -> memref<512xi32, #tpu.memory_space<vmem>>
    %dma_wait3A_348 = arith.constant 0 : i32
    %dma_wait3A_349 = arith.constant 0 : i32
    %dma_wait3A_350 = tpu.memref_slice %arg2[%dma_wait3A_348, %dma_wait3A_349] : memref<1000000x32xf32, #tpu.memory_space<hbm>> -> memref<1000000x32xf32, #tpu.memory_space<hbm>>
    tpu.wait_indirect_dma semaphore(%arg12 : memref<!tpu.dma_semaphore, #tpu.memory_space<semaphore_mem>>) src(%dma_wait3A_350 : memref<1000000x32xf32, #tpu.memory_space<hbm>>) dst(%arg7 : memref<512x32xf32, #tpu.memory_space<vmem>>)
    %dma_start3A_351 = arith.constant 11 : i32
    %dma_start3A_352 = arith.constant 0 : i32
    %dma_start3A_353 = tpu.memref_slice %arg4[%mul3A_2, %dma_start3A_351, %dma_start3A_352] : memref<16384x32x128xf32, #tpu.memory_space<hbm>> -> memref<512x1x32xf32, #tpu.memory_space<hbm>>
    %dma_start3A_354 = tpu.memref_squeeze %dma_start3A_353 : memref<512x1x32xf32, #tpu.memory_space<hbm>> -> memref<512x32xf32, #tpu.memory_space<hbm>>
    %dma_start3A_355 = arith.constant 0 : i32
    %dma_start3A_356 = tpu.memref_slice %arg4[%mul3A_2, %dma_start3A_351, %dma_start3A_355] : memref<16384x32x128xf32, #tpu.memory_space<hbm>> -> memref<512x1x32xf32, #tpu.memory_space<hbm>>
    %dma_start3A_357 = tpu.memref_squeeze %dma_start3A_356 : memref<512x1x32xf32, #tpu.memory_space<hbm>> -> memref<512x32xf32, #tpu.memory_space<hbm>>
    tpu.enqueue_dma source(%arg7 : memref<512x32xf32, #tpu.memory_space<vmem>>) target(%dma_start3A_357 : memref<512x32xf32, #tpu.memory_space<hbm>>) target_semaphore(%arg17 : memref<!tpu.dma_semaphore, #tpu.memory_space<semaphore_mem>>)
    %dma_wait3A_358 = arith.constant 11 : i32
    %dma_wait3A_359 = arith.constant 0 : i32
    %dma_wait3A_360 = tpu.memref_slice %arg4[%mul3A_2, %dma_wait3A_358, %dma_wait3A_359] : memref<16384x32x128xf32, #tpu.memory_space<hbm>> -> memref<512x1x32xf32, #tpu.memory_space<hbm>>
    %dma_wait3A_361 = tpu.memref_squeeze %dma_wait3A_360 : memref<512x1x32xf32, #tpu.memory_space<hbm>> -> memref<512x32xf32, #tpu.memory_space<hbm>>
    %dma_wait3A_362 = arith.constant 0 : i32
    %dma_wait3A_363 = tpu.memref_slice %arg4[%mul3A_2, %dma_wait3A_358, %dma_wait3A_362] : memref<16384x32x128xf32, #tpu.memory_space<hbm>> -> memref<512x1x32xf32, #tpu.memory_space<hbm>>
    %dma_wait3A_364 = tpu.memref_squeeze %dma_wait3A_363 : memref<512x1x32xf32, #tpu.memory_space<hbm>> -> memref<512x32xf32, #tpu.memory_space<hbm>>
    tpu.wait_dma2 semaphore(%arg17 : memref<!tpu.dma_semaphore, #tpu.memory_space<semaphore_mem>>) src(%arg7 : memref<512x32xf32, #tpu.memory_space<vmem>>) dst(%dma_wait3A_364 : memref<512x32xf32, #tpu.memory_space<hbm>>)
    %dma_start3A_365 = arith.constant 16 : i32
    %dma_start3A_366 = arith.constant 0 : i32
    %dma_start3A_367 = tpu.memref_slice %arg5[%dma_start3A_365, %dma_start3A_366] : memref<26x512xi32, #tpu.memory_space<vmem>> -> memref<1x512xi32, #tpu.memory_space<vmem>>
    %dma_start3A_368 = tpu.memref_squeeze %dma_start3A_367 : memref<1x512xi32, #tpu.memory_space<vmem>> -> memref<512xi32, #tpu.memory_space<vmem>>
    %dma_start3A_369 = arith.constant 0 : i32
    %dma_start3A_370 = arith.constant 0 : i32
    %dma_start3A_371 = tpu.memref_slice %arg2[%dma_start3A_369, %dma_start3A_370] : memref<1000000x32xf32, #tpu.memory_space<hbm>> -> memref<1000000x32xf32, #tpu.memory_space<hbm>>
    tpu.enqueue_indirect_dma source(%dma_start3A_371 : memref<1000000x32xf32, #tpu.memory_space<hbm>>) target(%arg7 : memref<512x32xf32, #tpu.memory_space<vmem>>) offsets(%dma_start3A_368 : memref<512xi32, #tpu.memory_space<vmem>>) semaphore(%arg12 : memref<!tpu.dma_semaphore, #tpu.memory_space<semaphore_mem>>)
    %dma_wait3A_372 = arith.constant 12 : i32
    %dma_wait3A_373 = arith.constant 0 : i32
    %dma_wait3A_374 = tpu.memref_slice %arg5[%dma_wait3A_372, %dma_wait3A_373] : memref<26x512xi32, #tpu.memory_space<vmem>> -> memref<1x512xi32, #tpu.memory_space<vmem>>
    %dma_wait3A_375 = tpu.memref_squeeze %dma_wait3A_374 : memref<1x512xi32, #tpu.memory_space<vmem>> -> memref<512xi32, #tpu.memory_space<vmem>>
    %dma_wait3A_376 = arith.constant 0 : i32
    %dma_wait3A_377 = arith.constant 0 : i32
    %dma_wait3A_378 = tpu.memref_slice %arg2[%dma_wait3A_376, %dma_wait3A_377] : memref<1000000x32xf32, #tpu.memory_space<hbm>> -> memref<1000000x32xf32, #tpu.memory_space<hbm>>
    tpu.wait_indirect_dma semaphore(%arg13 : memref<!tpu.dma_semaphore, #tpu.memory_space<semaphore_mem>>) src(%dma_wait3A_378 : memref<1000000x32xf32, #tpu.memory_space<hbm>>) dst(%arg8 : memref<512x32xf32, #tpu.memory_space<vmem>>)
    %dma_start3A_379 = arith.constant 12 : i32
    %dma_start3A_380 = arith.constant 0 : i32
    %dma_start3A_381 = tpu.memref_slice %arg4[%mul3A_2, %dma_start3A_379, %dma_start3A_380] : memref<16384x32x128xf32, #tpu.memory_space<hbm>> -> memref<512x1x32xf32, #tpu.memory_space<hbm>>
    %dma_start3A_382 = tpu.memref_squeeze %dma_start3A_381 : memref<512x1x32xf32, #tpu.memory_space<hbm>> -> memref<512x32xf32, #tpu.memory_space<hbm>>
    %dma_start3A_383 = arith.constant 0 : i32
    %dma_start3A_384 = tpu.memref_slice %arg4[%mul3A_2, %dma_start3A_379, %dma_start3A_383] : memref<16384x32x128xf32, #tpu.memory_space<hbm>> -> memref<512x1x32xf32, #tpu.memory_space<hbm>>
    %dma_start3A_385 = tpu.memref_squeeze %dma_start3A_384 : memref<512x1x32xf32, #tpu.memory_space<hbm>> -> memref<512x32xf32, #tpu.memory_space<hbm>>
    tpu.enqueue_dma source(%arg8 : memref<512x32xf32, #tpu.memory_space<vmem>>) target(%dma_start3A_385 : memref<512x32xf32, #tpu.memory_space<hbm>>) target_semaphore(%arg18 : memref<!tpu.dma_semaphore, #tpu.memory_space<semaphore_mem>>)
    %dma_wait3A_386 = arith.constant 12 : i32
    %dma_wait3A_387 = arith.constant 0 : i32
    %dma_wait3A_388 = tpu.memref_slice %arg4[%mul3A_2, %dma_wait3A_386, %dma_wait3A_387] : memref<16384x32x128xf32, #tpu.memory_space<hbm>> -> memref<512x1x32xf32, #tpu.memory_space<hbm>>
    %dma_wait3A_389 = tpu.memref_squeeze %dma_wait3A_388 : memref<512x1x32xf32, #tpu.memory_space<hbm>> -> memref<512x32xf32, #tpu.memory_space<hbm>>
    %dma_wait3A_390 = arith.constant 0 : i32
    %dma_wait3A_391 = tpu.memref_slice %arg4[%mul3A_2, %dma_wait3A_386, %dma_wait3A_390] : memref<16384x32x128xf32, #tpu.memory_space<hbm>> -> memref<512x1x32xf32, #tpu.memory_space<hbm>>
    %dma_wait3A_392 = tpu.memref_squeeze %dma_wait3A_391 : memref<512x1x32xf32, #tpu.memory_space<hbm>> -> memref<512x32xf32, #tpu.memory_space<hbm>>
    tpu.wait_dma2 semaphore(%arg18 : memref<!tpu.dma_semaphore, #tpu.memory_space<semaphore_mem>>) src(%arg8 : memref<512x32xf32, #tpu.memory_space<vmem>>) dst(%dma_wait3A_392 : memref<512x32xf32, #tpu.memory_space<hbm>>)
    %dma_start3A_393 = arith.constant 17 : i32
    %dma_start3A_394 = arith.constant 0 : i32
    %dma_start3A_395 = tpu.memref_slice %arg5[%dma_start3A_393, %dma_start3A_394] : memref<26x512xi32, #tpu.memory_space<vmem>> -> memref<1x512xi32, #tpu.memory_space<vmem>>
    %dma_start3A_396 = tpu.memref_squeeze %dma_start3A_395 : memref<1x512xi32, #tpu.memory_space<vmem>> -> memref<512xi32, #tpu.memory_space<vmem>>
    %dma_start3A_397 = arith.constant 0 : i32
    %dma_start3A_398 = arith.constant 0 : i32
    %dma_start3A_399 = tpu.memref_slice %arg2[%dma_start3A_397, %dma_start3A_398] : memref<1000000x32xf32, #tpu.memory_space<hbm>> -> memref<1000000x32xf32, #tpu.memory_space<hbm>>
    tpu.enqueue_indirect_dma source(%dma_start3A_399 : memref<1000000x32xf32, #tpu.memory_space<hbm>>) target(%arg8 : memref<512x32xf32, #tpu.memory_space<vmem>>) offsets(%dma_start3A_396 : memref<512xi32, #tpu.memory_space<vmem>>) semaphore(%arg13 : memref<!tpu.dma_semaphore, #tpu.memory_space<semaphore_mem>>)
    %dma_wait3A_400 = arith.constant 13 : i32
    %dma_wait3A_401 = arith.constant 0 : i32
    %dma_wait3A_402 = tpu.memref_slice %arg5[%dma_wait3A_400, %dma_wait3A_401] : memref<26x512xi32, #tpu.memory_space<vmem>> -> memref<1x512xi32, #tpu.memory_space<vmem>>
    %dma_wait3A_403 = tpu.memref_squeeze %dma_wait3A_402 : memref<1x512xi32, #tpu.memory_space<vmem>> -> memref<512xi32, #tpu.memory_space<vmem>>
    %dma_wait3A_404 = arith.constant 0 : i32
    %dma_wait3A_405 = arith.constant 0 : i32
    %dma_wait3A_406 = tpu.memref_slice %arg2[%dma_wait3A_404, %dma_wait3A_405] : memref<1000000x32xf32, #tpu.memory_space<hbm>> -> memref<1000000x32xf32, #tpu.memory_space<hbm>>
    tpu.wait_indirect_dma semaphore(%arg14 : memref<!tpu.dma_semaphore, #tpu.memory_space<semaphore_mem>>) src(%dma_wait3A_406 : memref<1000000x32xf32, #tpu.memory_space<hbm>>) dst(%arg9 : memref<512x32xf32, #tpu.memory_space<vmem>>)
    %dma_start3A_407 = arith.constant 13 : i32
    %dma_start3A_408 = arith.constant 0 : i32
    %dma_start3A_409 = tpu.memref_slice %arg4[%mul3A_2, %dma_start3A_407, %dma_start3A_408] : memref<16384x32x128xf32, #tpu.memory_space<hbm>> -> memref<512x1x32xf32, #tpu.memory_space<hbm>>
    %dma_start3A_410 = tpu.memref_squeeze %dma_start3A_409 : memref<512x1x32xf32, #tpu.memory_space<hbm>> -> memref<512x32xf32, #tpu.memory_space<hbm>>
    %dma_start3A_411 = arith.constant 0 : i32
    %dma_start3A_412 = tpu.memref_slice %arg4[%mul3A_2, %dma_start3A_407, %dma_start3A_411] : memref<16384x32x128xf32, #tpu.memory_space<hbm>> -> memref<512x1x32xf32, #tpu.memory_space<hbm>>
    %dma_start3A_413 = tpu.memref_squeeze %dma_start3A_412 : memref<512x1x32xf32, #tpu.memory_space<hbm>> -> memref<512x32xf32, #tpu.memory_space<hbm>>
    tpu.enqueue_dma source(%arg9 : memref<512x32xf32, #tpu.memory_space<vmem>>) target(%dma_start3A_413 : memref<512x32xf32, #tpu.memory_space<hbm>>) target_semaphore(%arg19 : memref<!tpu.dma_semaphore, #tpu.memory_space<semaphore_mem>>)
    %dma_wait3A_414 = arith.constant 13 : i32
    %dma_wait3A_415 = arith.constant 0 : i32
    %dma_wait3A_416 = tpu.memref_slice %arg4[%mul3A_2, %dma_wait3A_414, %dma_wait3A_415] : memref<16384x32x128xf32, #tpu.memory_space<hbm>> -> memref<512x1x32xf32, #tpu.memory_space<hbm>>
    %dma_wait3A_417 = tpu.memref_squeeze %dma_wait3A_416 : memref<512x1x32xf32, #tpu.memory_space<hbm>> -> memref<512x32xf32, #tpu.memory_space<hbm>>
    %dma_wait3A_418 = arith.constant 0 : i32
    %dma_wait3A_419 = tpu.memref_slice %arg4[%mul3A_2, %dma_wait3A_414, %dma_wait3A_418] : memref<16384x32x128xf32, #tpu.memory_space<hbm>> -> memref<512x1x32xf32, #tpu.memory_space<hbm>>
    %dma_wait3A_420 = tpu.memref_squeeze %dma_wait3A_419 : memref<512x1x32xf32, #tpu.memory_space<hbm>> -> memref<512x32xf32, #tpu.memory_space<hbm>>
    tpu.wait_dma2 semaphore(%arg19 : memref<!tpu.dma_semaphore, #tpu.memory_space<semaphore_mem>>) src(%arg9 : memref<512x32xf32, #tpu.memory_space<vmem>>) dst(%dma_wait3A_420 : memref<512x32xf32, #tpu.memory_space<hbm>>)
    %dma_start3A_421 = arith.constant 18 : i32
    %dma_start3A_422 = arith.constant 0 : i32
    %dma_start3A_423 = tpu.memref_slice %arg5[%dma_start3A_421, %dma_start3A_422] : memref<26x512xi32, #tpu.memory_space<vmem>> -> memref<1x512xi32, #tpu.memory_space<vmem>>
    %dma_start3A_424 = tpu.memref_squeeze %dma_start3A_423 : memref<1x512xi32, #tpu.memory_space<vmem>> -> memref<512xi32, #tpu.memory_space<vmem>>
    %dma_start3A_425 = arith.constant 0 : i32
    %dma_start3A_426 = arith.constant 0 : i32
    %dma_start3A_427 = tpu.memref_slice %arg2[%dma_start3A_425, %dma_start3A_426] : memref<1000000x32xf32, #tpu.memory_space<hbm>> -> memref<1000000x32xf32, #tpu.memory_space<hbm>>
    tpu.enqueue_indirect_dma source(%dma_start3A_427 : memref<1000000x32xf32, #tpu.memory_space<hbm>>) target(%arg9 : memref<512x32xf32, #tpu.memory_space<vmem>>) offsets(%dma_start3A_424 : memref<512xi32, #tpu.memory_space<vmem>>) semaphore(%arg14 : memref<!tpu.dma_semaphore, #tpu.memory_space<semaphore_mem>>)
    %dma_wait3A_428 = arith.constant 14 : i32
    %dma_wait3A_429 = arith.constant 0 : i32
    %dma_wait3A_430 = tpu.memref_slice %arg5[%dma_wait3A_428, %dma_wait3A_429] : memref<26x512xi32, #tpu.memory_space<vmem>> -> memref<1x512xi32, #tpu.memory_space<vmem>>
    %dma_wait3A_431 = tpu.memref_squeeze %dma_wait3A_430 : memref<1x512xi32, #tpu.memory_space<vmem>> -> memref<512xi32, #tpu.memory_space<vmem>>
    %dma_wait3A_432 = arith.constant 0 : i32
    %dma_wait3A_433 = arith.constant 0 : i32
    %dma_wait3A_434 = tpu.memref_slice %arg2[%dma_wait3A_432, %dma_wait3A_433] : memref<1000000x32xf32, #tpu.memory_space<hbm>> -> memref<1000000x32xf32, #tpu.memory_space<hbm>>
    tpu.wait_indirect_dma semaphore(%arg15 : memref<!tpu.dma_semaphore, #tpu.memory_space<semaphore_mem>>) src(%dma_wait3A_434 : memref<1000000x32xf32, #tpu.memory_space<hbm>>) dst(%arg10 : memref<512x32xf32, #tpu.memory_space<vmem>>)
    %dma_start3A_435 = arith.constant 14 : i32
    %dma_start3A_436 = arith.constant 0 : i32
    %dma_start3A_437 = tpu.memref_slice %arg4[%mul3A_2, %dma_start3A_435, %dma_start3A_436] : memref<16384x32x128xf32, #tpu.memory_space<hbm>> -> memref<512x1x32xf32, #tpu.memory_space<hbm>>
    %dma_start3A_438 = tpu.memref_squeeze %dma_start3A_437 : memref<512x1x32xf32, #tpu.memory_space<hbm>> -> memref<512x32xf32, #tpu.memory_space<hbm>>
    %dma_start3A_439 = arith.constant 0 : i32
    %dma_start3A_440 = tpu.memref_slice %arg4[%mul3A_2, %dma_start3A_435, %dma_start3A_439] : memref<16384x32x128xf32, #tpu.memory_space<hbm>> -> memref<512x1x32xf32, #tpu.memory_space<hbm>>
    %dma_start3A_441 = tpu.memref_squeeze %dma_start3A_440 : memref<512x1x32xf32, #tpu.memory_space<hbm>> -> memref<512x32xf32, #tpu.memory_space<hbm>>
    tpu.enqueue_dma source(%arg10 : memref<512x32xf32, #tpu.memory_space<vmem>>) target(%dma_start3A_441 : memref<512x32xf32, #tpu.memory_space<hbm>>) target_semaphore(%arg20 : memref<!tpu.dma_semaphore, #tpu.memory_space<semaphore_mem>>)
    %dma_wait3A_442 = arith.constant 14 : i32
    %dma_wait3A_443 = arith.constant 0 : i32
    %dma_wait3A_444 = tpu.memref_slice %arg4[%mul3A_2, %dma_wait3A_442, %dma_wait3A_443] : memref<16384x32x128xf32, #tpu.memory_space<hbm>> -> memref<512x1x32xf32, #tpu.memory_space<hbm>>
    %dma_wait3A_445 = tpu.memref_squeeze %dma_wait3A_444 : memref<512x1x32xf32, #tpu.memory_space<hbm>> -> memref<512x32xf32, #tpu.memory_space<hbm>>
    %dma_wait3A_446 = arith.constant 0 : i32
    %dma_wait3A_447 = tpu.memref_slice %arg4[%mul3A_2, %dma_wait3A_442, %dma_wait3A_446] : memref<16384x32x128xf32, #tpu.memory_space<hbm>> -> memref<512x1x32xf32, #tpu.memory_space<hbm>>
    %dma_wait3A_448 = tpu.memref_squeeze %dma_wait3A_447 : memref<512x1x32xf32, #tpu.memory_space<hbm>> -> memref<512x32xf32, #tpu.memory_space<hbm>>
    tpu.wait_dma2 semaphore(%arg20 : memref<!tpu.dma_semaphore, #tpu.memory_space<semaphore_mem>>) src(%arg10 : memref<512x32xf32, #tpu.memory_space<vmem>>) dst(%dma_wait3A_448 : memref<512x32xf32, #tpu.memory_space<hbm>>)
    %dma_start3A_449 = arith.constant 19 : i32
    %dma_start3A_450 = arith.constant 0 : i32
    %dma_start3A_451 = tpu.memref_slice %arg5[%dma_start3A_449, %dma_start3A_450] : memref<26x512xi32, #tpu.memory_space<vmem>> -> memref<1x512xi32, #tpu.memory_space<vmem>>
    %dma_start3A_452 = tpu.memref_squeeze %dma_start3A_451 : memref<1x512xi32, #tpu.memory_space<vmem>> -> memref<512xi32, #tpu.memory_space<vmem>>
    %dma_start3A_453 = arith.constant 0 : i32
    %dma_start3A_454 = arith.constant 0 : i32
    %dma_start3A_455 = tpu.memref_slice %arg2[%dma_start3A_453, %dma_start3A_454] : memref<1000000x32xf32, #tpu.memory_space<hbm>> -> memref<1000000x32xf32, #tpu.memory_space<hbm>>
    tpu.enqueue_indirect_dma source(%dma_start3A_455 : memref<1000000x32xf32, #tpu.memory_space<hbm>>) target(%arg10 : memref<512x32xf32, #tpu.memory_space<vmem>>) offsets(%dma_start3A_452 : memref<512xi32, #tpu.memory_space<vmem>>) semaphore(%arg15 : memref<!tpu.dma_semaphore, #tpu.memory_space<semaphore_mem>>)
    %dma_wait3A_456 = arith.constant 15 : i32
    %dma_wait3A_457 = arith.constant 0 : i32
    %dma_wait3A_458 = tpu.memref_slice %arg5[%dma_wait3A_456, %dma_wait3A_457] : memref<26x512xi32, #tpu.memory_space<vmem>> -> memref<1x512xi32, #tpu.memory_space<vmem>>
    %dma_wait3A_459 = tpu.memref_squeeze %dma_wait3A_458 : memref<1x512xi32, #tpu.memory_space<vmem>> -> memref<512xi32, #tpu.memory_space<vmem>>
    %dma_wait3A_460 = arith.constant 0 : i32
    %dma_wait3A_461 = arith.constant 0 : i32
    %dma_wait3A_462 = tpu.memref_slice %arg2[%dma_wait3A_460, %dma_wait3A_461] : memref<1000000x32xf32, #tpu.memory_space<hbm>> -> memref<1000000x32xf32, #tpu.memory_space<hbm>>
    tpu.wait_indirect_dma semaphore(%arg11 : memref<!tpu.dma_semaphore, #tpu.memory_space<semaphore_mem>>) src(%dma_wait3A_462 : memref<1000000x32xf32, #tpu.memory_space<hbm>>) dst(%arg6 : memref<512x32xf32, #tpu.memory_space<vmem>>)
    %dma_start3A_463 = arith.constant 15 : i32
    %dma_start3A_464 = arith.constant 0 : i32
    %dma_start3A_465 = tpu.memref_slice %arg4[%mul3A_2, %dma_start3A_463, %dma_start3A_464] : memref<16384x32x128xf32, #tpu.memory_space<hbm>> -> memref<512x1x32xf32, #tpu.memory_space<hbm>>
    %dma_start3A_466 = tpu.memref_squeeze %dma_start3A_465 : memref<512x1x32xf32, #tpu.memory_space<hbm>> -> memref<512x32xf32, #tpu.memory_space<hbm>>
    %dma_start3A_467 = arith.constant 0 : i32
    %dma_start3A_468 = tpu.memref_slice %arg4[%mul3A_2, %dma_start3A_463, %dma_start3A_467] : memref<16384x32x128xf32, #tpu.memory_space<hbm>> -> memref<512x1x32xf32, #tpu.memory_space<hbm>>
    %dma_start3A_469 = tpu.memref_squeeze %dma_start3A_468 : memref<512x1x32xf32, #tpu.memory_space<hbm>> -> memref<512x32xf32, #tpu.memory_space<hbm>>
    tpu.enqueue_dma source(%arg6 : memref<512x32xf32, #tpu.memory_space<vmem>>) target(%dma_start3A_469 : memref<512x32xf32, #tpu.memory_space<hbm>>) target_semaphore(%arg16 : memref<!tpu.dma_semaphore, #tpu.memory_space<semaphore_mem>>)
    %dma_wait3A_470 = arith.constant 15 : i32
    %dma_wait3A_471 = arith.constant 0 : i32
    %dma_wait3A_472 = tpu.memref_slice %arg4[%mul3A_2, %dma_wait3A_470, %dma_wait3A_471] : memref<16384x32x128xf32, #tpu.memory_space<hbm>> -> memref<512x1x32xf32, #tpu.memory_space<hbm>>
    %dma_wait3A_473 = tpu.memref_squeeze %dma_wait3A_472 : memref<512x1x32xf32, #tpu.memory_space<hbm>> -> memref<512x32xf32, #tpu.memory_space<hbm>>
    %dma_wait3A_474 = arith.constant 0 : i32
    %dma_wait3A_475 = tpu.memref_slice %arg4[%mul3A_2, %dma_wait3A_470, %dma_wait3A_474] : memref<16384x32x128xf32, #tpu.memory_space<hbm>> -> memref<512x1x32xf32, #tpu.memory_space<hbm>>
    %dma_wait3A_476 = tpu.memref_squeeze %dma_wait3A_475 : memref<512x1x32xf32, #tpu.memory_space<hbm>> -> memref<512x32xf32, #tpu.memory_space<hbm>>
    tpu.wait_dma2 semaphore(%arg16 : memref<!tpu.dma_semaphore, #tpu.memory_space<semaphore_mem>>) src(%arg6 : memref<512x32xf32, #tpu.memory_space<vmem>>) dst(%dma_wait3A_476 : memref<512x32xf32, #tpu.memory_space<hbm>>)
    %dma_start3A_477 = arith.constant 20 : i32
    %dma_start3A_478 = arith.constant 0 : i32
    %dma_start3A_479 = tpu.memref_slice %arg5[%dma_start3A_477, %dma_start3A_478] : memref<26x512xi32, #tpu.memory_space<vmem>> -> memref<1x512xi32, #tpu.memory_space<vmem>>
    %dma_start3A_480 = tpu.memref_squeeze %dma_start3A_479 : memref<1x512xi32, #tpu.memory_space<vmem>> -> memref<512xi32, #tpu.memory_space<vmem>>
    %dma_start3A_481 = arith.constant 0 : i32
    %dma_start3A_482 = arith.constant 0 : i32
    %dma_start3A_483 = tpu.memref_slice %arg2[%dma_start3A_481, %dma_start3A_482] : memref<1000000x32xf32, #tpu.memory_space<hbm>> -> memref<1000000x32xf32, #tpu.memory_space<hbm>>
    tpu.enqueue_indirect_dma source(%dma_start3A_483 : memref<1000000x32xf32, #tpu.memory_space<hbm>>) target(%arg6 : memref<512x32xf32, #tpu.memory_space<vmem>>) offsets(%dma_start3A_480 : memref<512xi32, #tpu.memory_space<vmem>>) semaphore(%arg11 : memref<!tpu.dma_semaphore, #tpu.memory_space<semaphore_mem>>)
    %dma_wait3A_484 = arith.constant 16 : i32
    %dma_wait3A_485 = arith.constant 0 : i32
    %dma_wait3A_486 = tpu.memref_slice %arg5[%dma_wait3A_484, %dma_wait3A_485] : memref<26x512xi32, #tpu.memory_space<vmem>> -> memref<1x512xi32, #tpu.memory_space<vmem>>
    %dma_wait3A_487 = tpu.memref_squeeze %dma_wait3A_486 : memref<1x512xi32, #tpu.memory_space<vmem>> -> memref<512xi32, #tpu.memory_space<vmem>>
    %dma_wait3A_488 = arith.constant 0 : i32
    %dma_wait3A_489 = arith.constant 0 : i32
    %dma_wait3A_490 = tpu.memref_slice %arg2[%dma_wait3A_488, %dma_wait3A_489] : memref<1000000x32xf32, #tpu.memory_space<hbm>> -> memref<1000000x32xf32, #tpu.memory_space<hbm>>
    tpu.wait_indirect_dma semaphore(%arg12 : memref<!tpu.dma_semaphore, #tpu.memory_space<semaphore_mem>>) src(%dma_wait3A_490 : memref<1000000x32xf32, #tpu.memory_space<hbm>>) dst(%arg7 : memref<512x32xf32, #tpu.memory_space<vmem>>)
    %dma_start3A_491 = arith.constant 16 : i32
    %dma_start3A_492 = arith.constant 0 : i32
    %dma_start3A_493 = tpu.memref_slice %arg4[%mul3A_2, %dma_start3A_491, %dma_start3A_492] : memref<16384x32x128xf32, #tpu.memory_space<hbm>> -> memref<512x1x32xf32, #tpu.memory_space<hbm>>
    %dma_start3A_494 = tpu.memref_squeeze %dma_start3A_493 : memref<512x1x32xf32, #tpu.memory_space<hbm>> -> memref<512x32xf32, #tpu.memory_space<hbm>>
    %dma_start3A_495 = arith.constant 0 : i32
    %dma_start3A_496 = tpu.memref_slice %arg4[%mul3A_2, %dma_start3A_491, %dma_start3A_495] : memref<16384x32x128xf32, #tpu.memory_space<hbm>> -> memref<512x1x32xf32, #tpu.memory_space<hbm>>
    %dma_start3A_497 = tpu.memref_squeeze %dma_start3A_496 : memref<512x1x32xf32, #tpu.memory_space<hbm>> -> memref<512x32xf32, #tpu.memory_space<hbm>>
    tpu.enqueue_dma source(%arg7 : memref<512x32xf32, #tpu.memory_space<vmem>>) target(%dma_start3A_497 : memref<512x32xf32, #tpu.memory_space<hbm>>) target_semaphore(%arg17 : memref<!tpu.dma_semaphore, #tpu.memory_space<semaphore_mem>>)
    %dma_wait3A_498 = arith.constant 16 : i32
    %dma_wait3A_499 = arith.constant 0 : i32
    %dma_wait3A_500 = tpu.memref_slice %arg4[%mul3A_2, %dma_wait3A_498, %dma_wait3A_499] : memref<16384x32x128xf32, #tpu.memory_space<hbm>> -> memref<512x1x32xf32, #tpu.memory_space<hbm>>
    %dma_wait3A_501 = tpu.memref_squeeze %dma_wait3A_500 : memref<512x1x32xf32, #tpu.memory_space<hbm>> -> memref<512x32xf32, #tpu.memory_space<hbm>>
    %dma_wait3A_502 = arith.constant 0 : i32
    %dma_wait3A_503 = tpu.memref_slice %arg4[%mul3A_2, %dma_wait3A_498, %dma_wait3A_502] : memref<16384x32x128xf32, #tpu.memory_space<hbm>> -> memref<512x1x32xf32, #tpu.memory_space<hbm>>
    %dma_wait3A_504 = tpu.memref_squeeze %dma_wait3A_503 : memref<512x1x32xf32, #tpu.memory_space<hbm>> -> memref<512x32xf32, #tpu.memory_space<hbm>>
    tpu.wait_dma2 semaphore(%arg17 : memref<!tpu.dma_semaphore, #tpu.memory_space<semaphore_mem>>) src(%arg7 : memref<512x32xf32, #tpu.memory_space<vmem>>) dst(%dma_wait3A_504 : memref<512x32xf32, #tpu.memory_space<hbm>>)
    %dma_start3A_505 = arith.constant 21 : i32
    %dma_start3A_506 = arith.constant 0 : i32
    %dma_start3A_507 = tpu.memref_slice %arg5[%dma_start3A_505, %dma_start3A_506] : memref<26x512xi32, #tpu.memory_space<vmem>> -> memref<1x512xi32, #tpu.memory_space<vmem>>
    %dma_start3A_508 = tpu.memref_squeeze %dma_start3A_507 : memref<1x512xi32, #tpu.memory_space<vmem>> -> memref<512xi32, #tpu.memory_space<vmem>>
    %dma_start3A_509 = arith.constant 0 : i32
    %dma_start3A_510 = arith.constant 0 : i32
    %dma_start3A_511 = tpu.memref_slice %arg2[%dma_start3A_509, %dma_start3A_510] : memref<1000000x32xf32, #tpu.memory_space<hbm>> -> memref<1000000x32xf32, #tpu.memory_space<hbm>>
    tpu.enqueue_indirect_dma source(%dma_start3A_511 : memref<1000000x32xf32, #tpu.memory_space<hbm>>) target(%arg7 : memref<512x32xf32, #tpu.memory_space<vmem>>) offsets(%dma_start3A_508 : memref<512xi32, #tpu.memory_space<vmem>>) semaphore(%arg12 : memref<!tpu.dma_semaphore, #tpu.memory_space<semaphore_mem>>)
    %dma_wait3A_512 = arith.constant 17 : i32
    %dma_wait3A_513 = arith.constant 0 : i32
    %dma_wait3A_514 = tpu.memref_slice %arg5[%dma_wait3A_512, %dma_wait3A_513] : memref<26x512xi32, #tpu.memory_space<vmem>> -> memref<1x512xi32, #tpu.memory_space<vmem>>
    %dma_wait3A_515 = tpu.memref_squeeze %dma_wait3A_514 : memref<1x512xi32, #tpu.memory_space<vmem>> -> memref<512xi32, #tpu.memory_space<vmem>>
    %dma_wait3A_516 = arith.constant 0 : i32
    %dma_wait3A_517 = arith.constant 0 : i32
    %dma_wait3A_518 = tpu.memref_slice %arg2[%dma_wait3A_516, %dma_wait3A_517] : memref<1000000x32xf32, #tpu.memory_space<hbm>> -> memref<1000000x32xf32, #tpu.memory_space<hbm>>
    tpu.wait_indirect_dma semaphore(%arg13 : memref<!tpu.dma_semaphore, #tpu.memory_space<semaphore_mem>>) src(%dma_wait3A_518 : memref<1000000x32xf32, #tpu.memory_space<hbm>>) dst(%arg8 : memref<512x32xf32, #tpu.memory_space<vmem>>)
    %dma_start3A_519 = arith.constant 17 : i32
    %dma_start3A_520 = arith.constant 0 : i32
    %dma_start3A_521 = tpu.memref_slice %arg4[%mul3A_2, %dma_start3A_519, %dma_start3A_520] : memref<16384x32x128xf32, #tpu.memory_space<hbm>> -> memref<512x1x32xf32, #tpu.memory_space<hbm>>
    %dma_start3A_522 = tpu.memref_squeeze %dma_start3A_521 : memref<512x1x32xf32, #tpu.memory_space<hbm>> -> memref<512x32xf32, #tpu.memory_space<hbm>>
    %dma_start3A_523 = arith.constant 0 : i32
    %dma_start3A_524 = tpu.memref_slice %arg4[%mul3A_2, %dma_start3A_519, %dma_start3A_523] : memref<16384x32x128xf32, #tpu.memory_space<hbm>> -> memref<512x1x32xf32, #tpu.memory_space<hbm>>
    %dma_start3A_525 = tpu.memref_squeeze %dma_start3A_524 : memref<512x1x32xf32, #tpu.memory_space<hbm>> -> memref<512x32xf32, #tpu.memory_space<hbm>>
    tpu.enqueue_dma source(%arg8 : memref<512x32xf32, #tpu.memory_space<vmem>>) target(%dma_start3A_525 : memref<512x32xf32, #tpu.memory_space<hbm>>) target_semaphore(%arg18 : memref<!tpu.dma_semaphore, #tpu.memory_space<semaphore_mem>>)
    %dma_wait3A_526 = arith.constant 17 : i32
    %dma_wait3A_527 = arith.constant 0 : i32
    %dma_wait3A_528 = tpu.memref_slice %arg4[%mul3A_2, %dma_wait3A_526, %dma_wait3A_527] : memref<16384x32x128xf32, #tpu.memory_space<hbm>> -> memref<512x1x32xf32, #tpu.memory_space<hbm>>
    %dma_wait3A_529 = tpu.memref_squeeze %dma_wait3A_528 : memref<512x1x32xf32, #tpu.memory_space<hbm>> -> memref<512x32xf32, #tpu.memory_space<hbm>>
    %dma_wait3A_530 = arith.constant 0 : i32
    %dma_wait3A_531 = tpu.memref_slice %arg4[%mul3A_2, %dma_wait3A_526, %dma_wait3A_530] : memref<16384x32x128xf32, #tpu.memory_space<hbm>> -> memref<512x1x32xf32, #tpu.memory_space<hbm>>
    %dma_wait3A_532 = tpu.memref_squeeze %dma_wait3A_531 : memref<512x1x32xf32, #tpu.memory_space<hbm>> -> memref<512x32xf32, #tpu.memory_space<hbm>>
    tpu.wait_dma2 semaphore(%arg18 : memref<!tpu.dma_semaphore, #tpu.memory_space<semaphore_mem>>) src(%arg8 : memref<512x32xf32, #tpu.memory_space<vmem>>) dst(%dma_wait3A_532 : memref<512x32xf32, #tpu.memory_space<hbm>>)
    %dma_start3A_533 = arith.constant 22 : i32
    %dma_start3A_534 = arith.constant 0 : i32
    %dma_start3A_535 = tpu.memref_slice %arg5[%dma_start3A_533, %dma_start3A_534] : memref<26x512xi32, #tpu.memory_space<vmem>> -> memref<1x512xi32, #tpu.memory_space<vmem>>
    %dma_start3A_536 = tpu.memref_squeeze %dma_start3A_535 : memref<1x512xi32, #tpu.memory_space<vmem>> -> memref<512xi32, #tpu.memory_space<vmem>>
    %dma_start3A_537 = arith.constant 0 : i32
    %dma_start3A_538 = arith.constant 0 : i32
    %dma_start3A_539 = tpu.memref_slice %arg2[%dma_start3A_537, %dma_start3A_538] : memref<1000000x32xf32, #tpu.memory_space<hbm>> -> memref<1000000x32xf32, #tpu.memory_space<hbm>>
    tpu.enqueue_indirect_dma source(%dma_start3A_539 : memref<1000000x32xf32, #tpu.memory_space<hbm>>) target(%arg8 : memref<512x32xf32, #tpu.memory_space<vmem>>) offsets(%dma_start3A_536 : memref<512xi32, #tpu.memory_space<vmem>>) semaphore(%arg13 : memref<!tpu.dma_semaphore, #tpu.memory_space<semaphore_mem>>)
    %dma_wait3A_540 = arith.constant 18 : i32
    %dma_wait3A_541 = arith.constant 0 : i32
    %dma_wait3A_542 = tpu.memref_slice %arg5[%dma_wait3A_540, %dma_wait3A_541] : memref<26x512xi32, #tpu.memory_space<vmem>> -> memref<1x512xi32, #tpu.memory_space<vmem>>
    %dma_wait3A_543 = tpu.memref_squeeze %dma_wait3A_542 : memref<1x512xi32, #tpu.memory_space<vmem>> -> memref<512xi32, #tpu.memory_space<vmem>>
    %dma_wait3A_544 = arith.constant 0 : i32
    %dma_wait3A_545 = arith.constant 0 : i32
    %dma_wait3A_546 = tpu.memref_slice %arg2[%dma_wait3A_544, %dma_wait3A_545] : memref<1000000x32xf32, #tpu.memory_space<hbm>> -> memref<1000000x32xf32, #tpu.memory_space<hbm>>
    tpu.wait_indirect_dma semaphore(%arg14 : memref<!tpu.dma_semaphore, #tpu.memory_space<semaphore_mem>>) src(%dma_wait3A_546 : memref<1000000x32xf32, #tpu.memory_space<hbm>>) dst(%arg9 : memref<512x32xf32, #tpu.memory_space<vmem>>)
    %dma_start3A_547 = arith.constant 18 : i32
    %dma_start3A_548 = arith.constant 0 : i32
    %dma_start3A_549 = tpu.memref_slice %arg4[%mul3A_2, %dma_start3A_547, %dma_start3A_548] : memref<16384x32x128xf32, #tpu.memory_space<hbm>> -> memref<512x1x32xf32, #tpu.memory_space<hbm>>
    %dma_start3A_550 = tpu.memref_squeeze %dma_start3A_549 : memref<512x1x32xf32, #tpu.memory_space<hbm>> -> memref<512x32xf32, #tpu.memory_space<hbm>>
    %dma_start3A_551 = arith.constant 0 : i32
    %dma_start3A_552 = tpu.memref_slice %arg4[%mul3A_2, %dma_start3A_547, %dma_start3A_551] : memref<16384x32x128xf32, #tpu.memory_space<hbm>> -> memref<512x1x32xf32, #tpu.memory_space<hbm>>
    %dma_start3A_553 = tpu.memref_squeeze %dma_start3A_552 : memref<512x1x32xf32, #tpu.memory_space<hbm>> -> memref<512x32xf32, #tpu.memory_space<hbm>>
    tpu.enqueue_dma source(%arg9 : memref<512x32xf32, #tpu.memory_space<vmem>>) target(%dma_start3A_553 : memref<512x32xf32, #tpu.memory_space<hbm>>) target_semaphore(%arg19 : memref<!tpu.dma_semaphore, #tpu.memory_space<semaphore_mem>>)
    %dma_wait3A_554 = arith.constant 18 : i32
    %dma_wait3A_555 = arith.constant 0 : i32
    %dma_wait3A_556 = tpu.memref_slice %arg4[%mul3A_2, %dma_wait3A_554, %dma_wait3A_555] : memref<16384x32x128xf32, #tpu.memory_space<hbm>> -> memref<512x1x32xf32, #tpu.memory_space<hbm>>
    %dma_wait3A_557 = tpu.memref_squeeze %dma_wait3A_556 : memref<512x1x32xf32, #tpu.memory_space<hbm>> -> memref<512x32xf32, #tpu.memory_space<hbm>>
    %dma_wait3A_558 = arith.constant 0 : i32
    %dma_wait3A_559 = tpu.memref_slice %arg4[%mul3A_2, %dma_wait3A_554, %dma_wait3A_558] : memref<16384x32x128xf32, #tpu.memory_space<hbm>> -> memref<512x1x32xf32, #tpu.memory_space<hbm>>
    %dma_wait3A_560 = tpu.memref_squeeze %dma_wait3A_559 : memref<512x1x32xf32, #tpu.memory_space<hbm>> -> memref<512x32xf32, #tpu.memory_space<hbm>>
    tpu.wait_dma2 semaphore(%arg19 : memref<!tpu.dma_semaphore, #tpu.memory_space<semaphore_mem>>) src(%arg9 : memref<512x32xf32, #tpu.memory_space<vmem>>) dst(%dma_wait3A_560 : memref<512x32xf32, #tpu.memory_space<hbm>>)
    %dma_start3A_561 = arith.constant 23 : i32
    %dma_start3A_562 = arith.constant 0 : i32
    %dma_start3A_563 = tpu.memref_slice %arg5[%dma_start3A_561, %dma_start3A_562] : memref<26x512xi32, #tpu.memory_space<vmem>> -> memref<1x512xi32, #tpu.memory_space<vmem>>
    %dma_start3A_564 = tpu.memref_squeeze %dma_start3A_563 : memref<1x512xi32, #tpu.memory_space<vmem>> -> memref<512xi32, #tpu.memory_space<vmem>>
    %dma_start3A_565 = arith.constant 0 : i32
    %dma_start3A_566 = arith.constant 0 : i32
    %dma_start3A_567 = tpu.memref_slice %arg2[%dma_start3A_565, %dma_start3A_566] : memref<1000000x32xf32, #tpu.memory_space<hbm>> -> memref<1000000x32xf32, #tpu.memory_space<hbm>>
    tpu.enqueue_indirect_dma source(%dma_start3A_567 : memref<1000000x32xf32, #tpu.memory_space<hbm>>) target(%arg9 : memref<512x32xf32, #tpu.memory_space<vmem>>) offsets(%dma_start3A_564 : memref<512xi32, #tpu.memory_space<vmem>>) semaphore(%arg14 : memref<!tpu.dma_semaphore, #tpu.memory_space<semaphore_mem>>)
    %dma_wait3A_568 = arith.constant 19 : i32
    %dma_wait3A_569 = arith.constant 0 : i32
    %dma_wait3A_570 = tpu.memref_slice %arg5[%dma_wait3A_568, %dma_wait3A_569] : memref<26x512xi32, #tpu.memory_space<vmem>> -> memref<1x512xi32, #tpu.memory_space<vmem>>
    %dma_wait3A_571 = tpu.memref_squeeze %dma_wait3A_570 : memref<1x512xi32, #tpu.memory_space<vmem>> -> memref<512xi32, #tpu.memory_space<vmem>>
    %dma_wait3A_572 = arith.constant 0 : i32
    %dma_wait3A_573 = arith.constant 0 : i32
    %dma_wait3A_574 = tpu.memref_slice %arg2[%dma_wait3A_572, %dma_wait3A_573] : memref<1000000x32xf32, #tpu.memory_space<hbm>> -> memref<1000000x32xf32, #tpu.memory_space<hbm>>
    tpu.wait_indirect_dma semaphore(%arg15 : memref<!tpu.dma_semaphore, #tpu.memory_space<semaphore_mem>>) src(%dma_wait3A_574 : memref<1000000x32xf32, #tpu.memory_space<hbm>>) dst(%arg10 : memref<512x32xf32, #tpu.memory_space<vmem>>)
    %dma_start3A_575 = arith.constant 19 : i32
    %dma_start3A_576 = arith.constant 0 : i32
    %dma_start3A_577 = tpu.memref_slice %arg4[%mul3A_2, %dma_start3A_575, %dma_start3A_576] : memref<16384x32x128xf32, #tpu.memory_space<hbm>> -> memref<512x1x32xf32, #tpu.memory_space<hbm>>
    %dma_start3A_578 = tpu.memref_squeeze %dma_start3A_577 : memref<512x1x32xf32, #tpu.memory_space<hbm>> -> memref<512x32xf32, #tpu.memory_space<hbm>>
    %dma_start3A_579 = arith.constant 0 : i32
    %dma_start3A_580 = tpu.memref_slice %arg4[%mul3A_2, %dma_start3A_575, %dma_start3A_579] : memref<16384x32x128xf32, #tpu.memory_space<hbm>> -> memref<512x1x32xf32, #tpu.memory_space<hbm>>
    %dma_start3A_581 = tpu.memref_squeeze %dma_start3A_580 : memref<512x1x32xf32, #tpu.memory_space<hbm>> -> memref<512x32xf32, #tpu.memory_space<hbm>>
    tpu.enqueue_dma source(%arg10 : memref<512x32xf32, #tpu.memory_space<vmem>>) target(%dma_start3A_581 : memref<512x32xf32, #tpu.memory_space<hbm>>) target_semaphore(%arg20 : memref<!tpu.dma_semaphore, #tpu.memory_space<semaphore_mem>>)
    %dma_wait3A_582 = arith.constant 19 : i32
    %dma_wait3A_583 = arith.constant 0 : i32
    %dma_wait3A_584 = tpu.memref_slice %arg4[%mul3A_2, %dma_wait3A_582, %dma_wait3A_583] : memref<16384x32x128xf32, #tpu.memory_space<hbm>> -> memref<512x1x32xf32, #tpu.memory_space<hbm>>
    %dma_wait3A_585 = tpu.memref_squeeze %dma_wait3A_584 : memref<512x1x32xf32, #tpu.memory_space<hbm>> -> memref<512x32xf32, #tpu.memory_space<hbm>>
    %dma_wait3A_586 = arith.constant 0 : i32
    %dma_wait3A_587 = tpu.memref_slice %arg4[%mul3A_2, %dma_wait3A_582, %dma_wait3A_586] : memref<16384x32x128xf32, #tpu.memory_space<hbm>> -> memref<512x1x32xf32, #tpu.memory_space<hbm>>
    %dma_wait3A_588 = tpu.memref_squeeze %dma_wait3A_587 : memref<512x1x32xf32, #tpu.memory_space<hbm>> -> memref<512x32xf32, #tpu.memory_space<hbm>>
    tpu.wait_dma2 semaphore(%arg20 : memref<!tpu.dma_semaphore, #tpu.memory_space<semaphore_mem>>) src(%arg10 : memref<512x32xf32, #tpu.memory_space<vmem>>) dst(%dma_wait3A_588 : memref<512x32xf32, #tpu.memory_space<hbm>>)
    %dma_start3A_589 = arith.constant 24 : i32
    %dma_start3A_590 = arith.constant 0 : i32
    %dma_start3A_591 = tpu.memref_slice %arg5[%dma_start3A_589, %dma_start3A_590] : memref<26x512xi32, #tpu.memory_space<vmem>> -> memref<1x512xi32, #tpu.memory_space<vmem>>
    %dma_start3A_592 = tpu.memref_squeeze %dma_start3A_591 : memref<1x512xi32, #tpu.memory_space<vmem>> -> memref<512xi32, #tpu.memory_space<vmem>>
    %dma_start3A_593 = arith.constant 0 : i32
    %dma_start3A_594 = arith.constant 0 : i32
    %dma_start3A_595 = tpu.memref_slice %arg2[%dma_start3A_593, %dma_start3A_594] : memref<1000000x32xf32, #tpu.memory_space<hbm>> -> memref<1000000x32xf32, #tpu.memory_space<hbm>>
    tpu.enqueue_indirect_dma source(%dma_start3A_595 : memref<1000000x32xf32, #tpu.memory_space<hbm>>) target(%arg10 : memref<512x32xf32, #tpu.memory_space<vmem>>) offsets(%dma_start3A_592 : memref<512xi32, #tpu.memory_space<vmem>>) semaphore(%arg15 : memref<!tpu.dma_semaphore, #tpu.memory_space<semaphore_mem>>)
    %dma_wait3A_596 = arith.constant 20 : i32
    %dma_wait3A_597 = arith.constant 0 : i32
    %dma_wait3A_598 = tpu.memref_slice %arg5[%dma_wait3A_596, %dma_wait3A_597] : memref<26x512xi32, #tpu.memory_space<vmem>> -> memref<1x512xi32, #tpu.memory_space<vmem>>
    %dma_wait3A_599 = tpu.memref_squeeze %dma_wait3A_598 : memref<1x512xi32, #tpu.memory_space<vmem>> -> memref<512xi32, #tpu.memory_space<vmem>>
    %dma_wait3A_600 = arith.constant 0 : i32
    %dma_wait3A_601 = arith.constant 0 : i32
    %dma_wait3A_602 = tpu.memref_slice %arg2[%dma_wait3A_600, %dma_wait3A_601] : memref<1000000x32xf32, #tpu.memory_space<hbm>> -> memref<1000000x32xf32, #tpu.memory_space<hbm>>
    tpu.wait_indirect_dma semaphore(%arg11 : memref<!tpu.dma_semaphore, #tpu.memory_space<semaphore_mem>>) src(%dma_wait3A_602 : memref<1000000x32xf32, #tpu.memory_space<hbm>>) dst(%arg6 : memref<512x32xf32, #tpu.memory_space<vmem>>)
    %dma_start3A_603 = arith.constant 20 : i32
    %dma_start3A_604 = arith.constant 0 : i32
    %dma_start3A_605 = tpu.memref_slice %arg4[%mul3A_2, %dma_start3A_603, %dma_start3A_604] : memref<16384x32x128xf32, #tpu.memory_space<hbm>> -> memref<512x1x32xf32, #tpu.memory_space<hbm>>
    %dma_start3A_606 = tpu.memref_squeeze %dma_start3A_605 : memref<512x1x32xf32, #tpu.memory_space<hbm>> -> memref<512x32xf32, #tpu.memory_space<hbm>>
    %dma_start3A_607 = arith.constant 0 : i32
    %dma_start3A_608 = tpu.memref_slice %arg4[%mul3A_2, %dma_start3A_603, %dma_start3A_607] : memref<16384x32x128xf32, #tpu.memory_space<hbm>> -> memref<512x1x32xf32, #tpu.memory_space<hbm>>
    %dma_start3A_609 = tpu.memref_squeeze %dma_start3A_608 : memref<512x1x32xf32, #tpu.memory_space<hbm>> -> memref<512x32xf32, #tpu.memory_space<hbm>>
    tpu.enqueue_dma source(%arg6 : memref<512x32xf32, #tpu.memory_space<vmem>>) target(%dma_start3A_609 : memref<512x32xf32, #tpu.memory_space<hbm>>) target_semaphore(%arg16 : memref<!tpu.dma_semaphore, #tpu.memory_space<semaphore_mem>>)
    %dma_wait3A_610 = arith.constant 20 : i32
    %dma_wait3A_611 = arith.constant 0 : i32
    %dma_wait3A_612 = tpu.memref_slice %arg4[%mul3A_2, %dma_wait3A_610, %dma_wait3A_611] : memref<16384x32x128xf32, #tpu.memory_space<hbm>> -> memref<512x1x32xf32, #tpu.memory_space<hbm>>
    %dma_wait3A_613 = tpu.memref_squeeze %dma_wait3A_612 : memref<512x1x32xf32, #tpu.memory_space<hbm>> -> memref<512x32xf32, #tpu.memory_space<hbm>>
    %dma_wait3A_614 = arith.constant 0 : i32
    %dma_wait3A_615 = tpu.memref_slice %arg4[%mul3A_2, %dma_wait3A_610, %dma_wait3A_614] : memref<16384x32x128xf32, #tpu.memory_space<hbm>> -> memref<512x1x32xf32, #tpu.memory_space<hbm>>
    %dma_wait3A_616 = tpu.memref_squeeze %dma_wait3A_615 : memref<512x1x32xf32, #tpu.memory_space<hbm>> -> memref<512x32xf32, #tpu.memory_space<hbm>>
    tpu.wait_dma2 semaphore(%arg16 : memref<!tpu.dma_semaphore, #tpu.memory_space<semaphore_mem>>) src(%arg6 : memref<512x32xf32, #tpu.memory_space<vmem>>) dst(%dma_wait3A_616 : memref<512x32xf32, #tpu.memory_space<hbm>>)
    %dma_start3A_617 = arith.constant 25 : i32
    %dma_start3A_618 = arith.constant 0 : i32
    %dma_start3A_619 = tpu.memref_slice %arg5[%dma_start3A_617, %dma_start3A_618] : memref<26x512xi32, #tpu.memory_space<vmem>> -> memref<1x512xi32, #tpu.memory_space<vmem>>
    %dma_start3A_620 = tpu.memref_squeeze %dma_start3A_619 : memref<1x512xi32, #tpu.memory_space<vmem>> -> memref<512xi32, #tpu.memory_space<vmem>>
    %dma_start3A_621 = arith.constant 0 : i32
    %dma_start3A_622 = arith.constant 0 : i32
    %dma_start3A_623 = tpu.memref_slice %arg2[%dma_start3A_621, %dma_start3A_622] : memref<1000000x32xf32, #tpu.memory_space<hbm>> -> memref<1000000x32xf32, #tpu.memory_space<hbm>>
    tpu.enqueue_indirect_dma source(%dma_start3A_623 : memref<1000000x32xf32, #tpu.memory_space<hbm>>) target(%arg6 : memref<512x32xf32, #tpu.memory_space<vmem>>) offsets(%dma_start3A_620 : memref<512xi32, #tpu.memory_space<vmem>>) semaphore(%arg11 : memref<!tpu.dma_semaphore, #tpu.memory_space<semaphore_mem>>)
    %dma_wait3A_624 = arith.constant 21 : i32
    %dma_wait3A_625 = arith.constant 0 : i32
    %dma_wait3A_626 = tpu.memref_slice %arg5[%dma_wait3A_624, %dma_wait3A_625] : memref<26x512xi32, #tpu.memory_space<vmem>> -> memref<1x512xi32, #tpu.memory_space<vmem>>
    %dma_wait3A_627 = tpu.memref_squeeze %dma_wait3A_626 : memref<1x512xi32, #tpu.memory_space<vmem>> -> memref<512xi32, #tpu.memory_space<vmem>>
    %dma_wait3A_628 = arith.constant 0 : i32
    %dma_wait3A_629 = arith.constant 0 : i32
    %dma_wait3A_630 = tpu.memref_slice %arg2[%dma_wait3A_628, %dma_wait3A_629] : memref<1000000x32xf32, #tpu.memory_space<hbm>> -> memref<1000000x32xf32, #tpu.memory_space<hbm>>
    tpu.wait_indirect_dma semaphore(%arg12 : memref<!tpu.dma_semaphore, #tpu.memory_space<semaphore_mem>>) src(%dma_wait3A_630 : memref<1000000x32xf32, #tpu.memory_space<hbm>>) dst(%arg7 : memref<512x32xf32, #tpu.memory_space<vmem>>)
    %dma_start3A_631 = arith.constant 21 : i32
    %dma_start3A_632 = arith.constant 0 : i32
    %dma_start3A_633 = tpu.memref_slice %arg4[%mul3A_2, %dma_start3A_631, %dma_start3A_632] : memref<16384x32x128xf32, #tpu.memory_space<hbm>> -> memref<512x1x32xf32, #tpu.memory_space<hbm>>
    %dma_start3A_634 = tpu.memref_squeeze %dma_start3A_633 : memref<512x1x32xf32, #tpu.memory_space<hbm>> -> memref<512x32xf32, #tpu.memory_space<hbm>>
    %dma_start3A_635 = arith.constant 0 : i32
    %dma_start3A_636 = tpu.memref_slice %arg4[%mul3A_2, %dma_start3A_631, %dma_start3A_635] : memref<16384x32x128xf32, #tpu.memory_space<hbm>> -> memref<512x1x32xf32, #tpu.memory_space<hbm>>
    %dma_start3A_637 = tpu.memref_squeeze %dma_start3A_636 : memref<512x1x32xf32, #tpu.memory_space<hbm>> -> memref<512x32xf32, #tpu.memory_space<hbm>>
    tpu.enqueue_dma source(%arg7 : memref<512x32xf32, #tpu.memory_space<vmem>>) target(%dma_start3A_637 : memref<512x32xf32, #tpu.memory_space<hbm>>) target_semaphore(%arg17 : memref<!tpu.dma_semaphore, #tpu.memory_space<semaphore_mem>>)
    %dma_wait3A_638 = arith.constant 21 : i32
    %dma_wait3A_639 = arith.constant 0 : i32
    %dma_wait3A_640 = tpu.memref_slice %arg4[%mul3A_2, %dma_wait3A_638, %dma_wait3A_639] : memref<16384x32x128xf32, #tpu.memory_space<hbm>> -> memref<512x1x32xf32, #tpu.memory_space<hbm>>
    %dma_wait3A_641 = tpu.memref_squeeze %dma_wait3A_640 : memref<512x1x32xf32, #tpu.memory_space<hbm>> -> memref<512x32xf32, #tpu.memory_space<hbm>>
    %dma_wait3A_642 = arith.constant 0 : i32
    %dma_wait3A_643 = tpu.memref_slice %arg4[%mul3A_2, %dma_wait3A_638, %dma_wait3A_642] : memref<16384x32x128xf32, #tpu.memory_space<hbm>> -> memref<512x1x32xf32, #tpu.memory_space<hbm>>
    %dma_wait3A_644 = tpu.memref_squeeze %dma_wait3A_643 : memref<512x1x32xf32, #tpu.memory_space<hbm>> -> memref<512x32xf32, #tpu.memory_space<hbm>>
    tpu.wait_dma2 semaphore(%arg17 : memref<!tpu.dma_semaphore, #tpu.memory_space<semaphore_mem>>) src(%arg7 : memref<512x32xf32, #tpu.memory_space<vmem>>) dst(%dma_wait3A_644 : memref<512x32xf32, #tpu.memory_space<hbm>>)
    %dma_wait3A_645 = arith.constant 22 : i32
    %dma_wait3A_646 = arith.constant 0 : i32
    %dma_wait3A_647 = tpu.memref_slice %arg5[%dma_wait3A_645, %dma_wait3A_646] : memref<26x512xi32, #tpu.memory_space<vmem>> -> memref<1x512xi32, #tpu.memory_space<vmem>>
    %dma_wait3A_648 = tpu.memref_squeeze %dma_wait3A_647 : memref<1x512xi32, #tpu.memory_space<vmem>> -> memref<512xi32, #tpu.memory_space<vmem>>
    %dma_wait3A_649 = arith.constant 0 : i32
    %dma_wait3A_650 = arith.constant 0 : i32
    %dma_wait3A_651 = tpu.memref_slice %arg2[%dma_wait3A_649, %dma_wait3A_650] : memref<1000000x32xf32, #tpu.memory_space<hbm>> -> memref<1000000x32xf32, #tpu.memory_space<hbm>>
    tpu.wait_indirect_dma semaphore(%arg13 : memref<!tpu.dma_semaphore, #tpu.memory_space<semaphore_mem>>) src(%dma_wait3A_651 : memref<1000000x32xf32, #tpu.memory_space<hbm>>) dst(%arg8 : memref<512x32xf32, #tpu.memory_space<vmem>>)
    %dma_start3A_652 = arith.constant 22 : i32
    %dma_start3A_653 = arith.constant 0 : i32
    %dma_start3A_654 = tpu.memref_slice %arg4[%mul3A_2, %dma_start3A_652, %dma_start3A_653] : memref<16384x32x128xf32, #tpu.memory_space<hbm>> -> memref<512x1x32xf32, #tpu.memory_space<hbm>>
    %dma_start3A_655 = tpu.memref_squeeze %dma_start3A_654 : memref<512x1x32xf32, #tpu.memory_space<hbm>> -> memref<512x32xf32, #tpu.memory_space<hbm>>
    %dma_start3A_656 = arith.constant 0 : i32
    %dma_start3A_657 = tpu.memref_slice %arg4[%mul3A_2, %dma_start3A_652, %dma_start3A_656] : memref<16384x32x128xf32, #tpu.memory_space<hbm>> -> memref<512x1x32xf32, #tpu.memory_space<hbm>>
    %dma_start3A_658 = tpu.memref_squeeze %dma_start3A_657 : memref<512x1x32xf32, #tpu.memory_space<hbm>> -> memref<512x32xf32, #tpu.memory_space<hbm>>
    tpu.enqueue_dma source(%arg8 : memref<512x32xf32, #tpu.memory_space<vmem>>) target(%dma_start3A_658 : memref<512x32xf32, #tpu.memory_space<hbm>>) target_semaphore(%arg18 : memref<!tpu.dma_semaphore, #tpu.memory_space<semaphore_mem>>)
    %dma_wait3A_659 = arith.constant 22 : i32
    %dma_wait3A_660 = arith.constant 0 : i32
    %dma_wait3A_661 = tpu.memref_slice %arg4[%mul3A_2, %dma_wait3A_659, %dma_wait3A_660] : memref<16384x32x128xf32, #tpu.memory_space<hbm>> -> memref<512x1x32xf32, #tpu.memory_space<hbm>>
    %dma_wait3A_662 = tpu.memref_squeeze %dma_wait3A_661 : memref<512x1x32xf32, #tpu.memory_space<hbm>> -> memref<512x32xf32, #tpu.memory_space<hbm>>
    %dma_wait3A_663 = arith.constant 0 : i32
    %dma_wait3A_664 = tpu.memref_slice %arg4[%mul3A_2, %dma_wait3A_659, %dma_wait3A_663] : memref<16384x32x128xf32, #tpu.memory_space<hbm>> -> memref<512x1x32xf32, #tpu.memory_space<hbm>>
    %dma_wait3A_665 = tpu.memref_squeeze %dma_wait3A_664 : memref<512x1x32xf32, #tpu.memory_space<hbm>> -> memref<512x32xf32, #tpu.memory_space<hbm>>
    tpu.wait_dma2 semaphore(%arg18 : memref<!tpu.dma_semaphore, #tpu.memory_space<semaphore_mem>>) src(%arg8 : memref<512x32xf32, #tpu.memory_space<vmem>>) dst(%dma_wait3A_665 : memref<512x32xf32, #tpu.memory_space<hbm>>)
    %dma_wait3A_666 = arith.constant 23 : i32
    %dma_wait3A_667 = arith.constant 0 : i32
    %dma_wait3A_668 = tpu.memref_slice %arg5[%dma_wait3A_666, %dma_wait3A_667] : memref<26x512xi32, #tpu.memory_space<vmem>> -> memref<1x512xi32, #tpu.memory_space<vmem>>
    %dma_wait3A_669 = tpu.memref_squeeze %dma_wait3A_668 : memref<1x512xi32, #tpu.memory_space<vmem>> -> memref<512xi32, #tpu.memory_space<vmem>>
    %dma_wait3A_670 = arith.constant 0 : i32
    %dma_wait3A_671 = arith.constant 0 : i32
    %dma_wait3A_672 = tpu.memref_slice %arg2[%dma_wait3A_670, %dma_wait3A_671] : memref<1000000x32xf32, #tpu.memory_space<hbm>> -> memref<1000000x32xf32, #tpu.memory_space<hbm>>
    tpu.wait_indirect_dma semaphore(%arg14 : memref<!tpu.dma_semaphore, #tpu.memory_space<semaphore_mem>>) src(%dma_wait3A_672 : memref<1000000x32xf32, #tpu.memory_space<hbm>>) dst(%arg9 : memref<512x32xf32, #tpu.memory_space<vmem>>)
    %dma_start3A_673 = arith.constant 23 : i32
    %dma_start3A_674 = arith.constant 0 : i32
    %dma_start3A_675 = tpu.memref_slice %arg4[%mul3A_2, %dma_start3A_673, %dma_start3A_674] : memref<16384x32x128xf32, #tpu.memory_space<hbm>> -> memref<512x1x32xf32, #tpu.memory_space<hbm>>
    %dma_start3A_676 = tpu.memref_squeeze %dma_start3A_675 : memref<512x1x32xf32, #tpu.memory_space<hbm>> -> memref<512x32xf32, #tpu.memory_space<hbm>>
    %dma_start3A_677 = arith.constant 0 : i32
    %dma_start3A_678 = tpu.memref_slice %arg4[%mul3A_2, %dma_start3A_673, %dma_start3A_677] : memref<16384x32x128xf32, #tpu.memory_space<hbm>> -> memref<512x1x32xf32, #tpu.memory_space<hbm>>
    %dma_start3A_679 = tpu.memref_squeeze %dma_start3A_678 : memref<512x1x32xf32, #tpu.memory_space<hbm>> -> memref<512x32xf32, #tpu.memory_space<hbm>>
    tpu.enqueue_dma source(%arg9 : memref<512x32xf32, #tpu.memory_space<vmem>>) target(%dma_start3A_679 : memref<512x32xf32, #tpu.memory_space<hbm>>) target_semaphore(%arg19 : memref<!tpu.dma_semaphore, #tpu.memory_space<semaphore_mem>>)
    %dma_wait3A_680 = arith.constant 23 : i32
    %dma_wait3A_681 = arith.constant 0 : i32
    %dma_wait3A_682 = tpu.memref_slice %arg4[%mul3A_2, %dma_wait3A_680, %dma_wait3A_681] : memref<16384x32x128xf32, #tpu.memory_space<hbm>> -> memref<512x1x32xf32, #tpu.memory_space<hbm>>
    %dma_wait3A_683 = tpu.memref_squeeze %dma_wait3A_682 : memref<512x1x32xf32, #tpu.memory_space<hbm>> -> memref<512x32xf32, #tpu.memory_space<hbm>>
    %dma_wait3A_684 = arith.constant 0 : i32
    %dma_wait3A_685 = tpu.memref_slice %arg4[%mul3A_2, %dma_wait3A_680, %dma_wait3A_684] : memref<16384x32x128xf32, #tpu.memory_space<hbm>> -> memref<512x1x32xf32, #tpu.memory_space<hbm>>
    %dma_wait3A_686 = tpu.memref_squeeze %dma_wait3A_685 : memref<512x1x32xf32, #tpu.memory_space<hbm>> -> memref<512x32xf32, #tpu.memory_space<hbm>>
    tpu.wait_dma2 semaphore(%arg19 : memref<!tpu.dma_semaphore, #tpu.memory_space<semaphore_mem>>) src(%arg9 : memref<512x32xf32, #tpu.memory_space<vmem>>) dst(%dma_wait3A_686 : memref<512x32xf32, #tpu.memory_space<hbm>>)
    %dma_wait3A_687 = arith.constant 24 : i32
    %dma_wait3A_688 = arith.constant 0 : i32
    %dma_wait3A_689 = tpu.memref_slice %arg5[%dma_wait3A_687, %dma_wait3A_688] : memref<26x512xi32, #tpu.memory_space<vmem>> -> memref<1x512xi32, #tpu.memory_space<vmem>>
    %dma_wait3A_690 = tpu.memref_squeeze %dma_wait3A_689 : memref<1x512xi32, #tpu.memory_space<vmem>> -> memref<512xi32, #tpu.memory_space<vmem>>
    %dma_wait3A_691 = arith.constant 0 : i32
    %dma_wait3A_692 = arith.constant 0 : i32
    %dma_wait3A_693 = tpu.memref_slice %arg2[%dma_wait3A_691, %dma_wait3A_692] : memref<1000000x32xf32, #tpu.memory_space<hbm>> -> memref<1000000x32xf32, #tpu.memory_space<hbm>>
    tpu.wait_indirect_dma semaphore(%arg15 : memref<!tpu.dma_semaphore, #tpu.memory_space<semaphore_mem>>) src(%dma_wait3A_693 : memref<1000000x32xf32, #tpu.memory_space<hbm>>) dst(%arg10 : memref<512x32xf32, #tpu.memory_space<vmem>>)
    %dma_start3A_694 = arith.constant 24 : i32
    %dma_start3A_695 = arith.constant 0 : i32
    %dma_start3A_696 = tpu.memref_slice %arg4[%mul3A_2, %dma_start3A_694, %dma_start3A_695] : memref<16384x32x128xf32, #tpu.memory_space<hbm>> -> memref<512x1x32xf32, #tpu.memory_space<hbm>>
    %dma_start3A_697 = tpu.memref_squeeze %dma_start3A_696 : memref<512x1x32xf32, #tpu.memory_space<hbm>> -> memref<512x32xf32, #tpu.memory_space<hbm>>
    %dma_start3A_698 = arith.constant 0 : i32
    %dma_start3A_699 = tpu.memref_slice %arg4[%mul3A_2, %dma_start3A_694, %dma_start3A_698] : memref<16384x32x128xf32, #tpu.memory_space<hbm>> -> memref<512x1x32xf32, #tpu.memory_space<hbm>>
    %dma_start3A_700 = tpu.memref_squeeze %dma_start3A_699 : memref<512x1x32xf32, #tpu.memory_space<hbm>> -> memref<512x32xf32, #tpu.memory_space<hbm>>
    tpu.enqueue_dma source(%arg10 : memref<512x32xf32, #tpu.memory_space<vmem>>) target(%dma_start3A_700 : memref<512x32xf32, #tpu.memory_space<hbm>>) target_semaphore(%arg20 : memref<!tpu.dma_semaphore, #tpu.memory_space<semaphore_mem>>)
    %dma_wait3A_701 = arith.constant 24 : i32
    %dma_wait3A_702 = arith.constant 0 : i32
    %dma_wait3A_703 = tpu.memref_slice %arg4[%mul3A_2, %dma_wait3A_701, %dma_wait3A_702] : memref<16384x32x128xf32, #tpu.memory_space<hbm>> -> memref<512x1x32xf32, #tpu.memory_space<hbm>>
    %dma_wait3A_704 = tpu.memref_squeeze %dma_wait3A_703 : memref<512x1x32xf32, #tpu.memory_space<hbm>> -> memref<512x32xf32, #tpu.memory_space<hbm>>
    %dma_wait3A_705 = arith.constant 0 : i32
    %dma_wait3A_706 = tpu.memref_slice %arg4[%mul3A_2, %dma_wait3A_701, %dma_wait3A_705] : memref<16384x32x128xf32, #tpu.memory_space<hbm>> -> memref<512x1x32xf32, #tpu.memory_space<hbm>>
    %dma_wait3A_707 = tpu.memref_squeeze %dma_wait3A_706 : memref<512x1x32xf32, #tpu.memory_space<hbm>> -> memref<512x32xf32, #tpu.memory_space<hbm>>
    tpu.wait_dma2 semaphore(%arg20 : memref<!tpu.dma_semaphore, #tpu.memory_space<semaphore_mem>>) src(%arg10 : memref<512x32xf32, #tpu.memory_space<vmem>>) dst(%dma_wait3A_707 : memref<512x32xf32, #tpu.memory_space<hbm>>)
    %dma_wait3A_708 = arith.constant 25 : i32
    %dma_wait3A_709 = arith.constant 0 : i32
    %dma_wait3A_710 = tpu.memref_slice %arg5[%dma_wait3A_708, %dma_wait3A_709] : memref<26x512xi32, #tpu.memory_space<vmem>> -> memref<1x512xi32, #tpu.memory_space<vmem>>
    %dma_wait3A_711 = tpu.memref_squeeze %dma_wait3A_710 : memref<1x512xi32, #tpu.memory_space<vmem>> -> memref<512xi32, #tpu.memory_space<vmem>>
    %dma_wait3A_712 = arith.constant 0 : i32
    %dma_wait3A_713 = arith.constant 0 : i32
    %dma_wait3A_714 = tpu.memref_slice %arg2[%dma_wait3A_712, %dma_wait3A_713] : memref<1000000x32xf32, #tpu.memory_space<hbm>> -> memref<1000000x32xf32, #tpu.memory_space<hbm>>
    tpu.wait_indirect_dma semaphore(%arg11 : memref<!tpu.dma_semaphore, #tpu.memory_space<semaphore_mem>>) src(%dma_wait3A_714 : memref<1000000x32xf32, #tpu.memory_space<hbm>>) dst(%arg6 : memref<512x32xf32, #tpu.memory_space<vmem>>)
    %dma_start3A_715 = arith.constant 25 : i32
    %dma_start3A_716 = arith.constant 0 : i32
    %dma_start3A_717 = tpu.memref_slice %arg4[%mul3A_2, %dma_start3A_715, %dma_start3A_716] : memref<16384x32x128xf32, #tpu.memory_space<hbm>> -> memref<512x1x32xf32, #tpu.memory_space<hbm>>
    %dma_start3A_718 = tpu.memref_squeeze %dma_start3A_717 : memref<512x1x32xf32, #tpu.memory_space<hbm>> -> memref<512x32xf32, #tpu.memory_space<hbm>>
    %dma_start3A_719 = arith.constant 0 : i32
    %dma_start3A_720 = tpu.memref_slice %arg4[%mul3A_2, %dma_start3A_715, %dma_start3A_719] : memref<16384x32x128xf32, #tpu.memory_space<hbm>> -> memref<512x1x32xf32, #tpu.memory_space<hbm>>
    %dma_start3A_721 = tpu.memref_squeeze %dma_start3A_720 : memref<512x1x32xf32, #tpu.memory_space<hbm>> -> memref<512x32xf32, #tpu.memory_space<hbm>>
    tpu.enqueue_dma source(%arg6 : memref<512x32xf32, #tpu.memory_space<vmem>>) target(%dma_start3A_721 : memref<512x32xf32, #tpu.memory_space<hbm>>) target_semaphore(%arg16 : memref<!tpu.dma_semaphore, #tpu.memory_space<semaphore_mem>>)
    %dma_wait3A_722 = arith.constant 25 : i32
    %dma_wait3A_723 = arith.constant 0 : i32
    %dma_wait3A_724 = tpu.memref_slice %arg4[%mul3A_2, %dma_wait3A_722, %dma_wait3A_723] : memref<16384x32x128xf32, #tpu.memory_space<hbm>> -> memref<512x1x32xf32, #tpu.memory_space<hbm>>
    %dma_wait3A_725 = tpu.memref_squeeze %dma_wait3A_724 : memref<512x1x32xf32, #tpu.memory_space<hbm>> -> memref<512x32xf32, #tpu.memory_space<hbm>>
    %dma_wait3A_726 = arith.constant 0 : i32
    %dma_wait3A_727 = tpu.memref_slice %arg4[%mul3A_2, %dma_wait3A_722, %dma_wait3A_726] : memref<16384x32x128xf32, #tpu.memory_space<hbm>> -> memref<512x1x32xf32, #tpu.memory_space<hbm>>
    %dma_wait3A_728 = tpu.memref_squeeze %dma_wait3A_727 : memref<512x1x32xf32, #tpu.memory_space<hbm>> -> memref<512x32xf32, #tpu.memory_space<hbm>>
    tpu.wait_dma2 semaphore(%arg16 : memref<!tpu.dma_semaphore, #tpu.memory_space<semaphore_mem>>) src(%arg6 : memref<512x32xf32, #tpu.memory_space<vmem>>) dst(%dma_wait3A_728 : memref<512x32xf32, #tpu.memory_space<hbm>>)
    return
  }
}

</mosaic_0001>

<sc_bundles>
// kernel: kernel.3.cloned.1.call-start
scs
__scs_entry_jumppad:
0x0: {  	(pc) =	sbr.rel $0x88, $3  }
0x1: {  	(tag) =	ssettag $0x0;
	lr =	simm.s32 $0x1  }
0x2: {  	[smem:$0x3F9F] =	sst lr;
	_ =	strace $0xD0000000  }
0x3: {  	_ = 	snop  }
0x4: {  	_ = 	snop  }
0x5: {  	_ = 	snop  }
0x6: {  	_ = 	snop  }
0x7: {  	_ = 	snop  }
__scs_overlays_trampoline_lowered:
0x8: {  	[smem:$0x3FAE] =	sst s0  }
0x9: {  	[smem:$0x3FAF] =	sst s1  }
0xa: {  	[smem:$0x3FB0] =	sst s2  }
0xb: {  	[smem:$0x3FB1] =	sst s3  }
0xc: {  	[smem:$0x3FB2] =	sst s4  }
0xd: {  	[smem:$0x3FB3] =	sst s5  }
0xe: {  	[smem:$0x3FB4] =	sst s6  }
0xf: {  	[smem:$0x3FB5] =	sst s7  }
0x10: {  	[smem:$0x3FB6] =	sst s8  }
0x11: {  	[smem:$0x3FB7] =	sst s9;
	s0 =	simm.s32 @!p0 $0x0  }
0x12: {  	s1 =	sld [smem:$0x3F9D];
	s0 =	simm.s32 @p0 $0x1  }
0x13: {  	[smem:$0x3FB8] =	sst s0;
	s0 =	simm.s32 @!p1 $0x0  }
0x14: {  	s2 =	sld [smem:$0x3F9C];
	s0 =	simm.s32 @p1 $0x1  }
0x15: {  	[smem:$0x3FB9] =	sst s0;
	s0 =	simm.s32 @!p2 $0x0  }
0x16: {  	s3 =	sld [smem:$0x3FDB];
	s0 =	simm.s32 @p2 $0x1  }
0x17: {  	s4 =	simm.s32 $0x1BF5;
	[smem:$0x3FBB] =	sst s0  }
0x18: {  	s0 =	sld [smem:$0x3F9E];
	_ =	swait.ge [sflag:s4], $0x0  }
0x19: {  	s7 =	sld [smem:$0x3F9F]  }
0x1a: {  	s8 =	sadd.s32 $0xFFFFE003, lr  }
0x1b: {  	s9 =	sadd.s32 $0xFFFFFEF7, lr;
	s5 =	simm.s32 $0xFFFFFFFF;
	p2 =	slt.u32 s8, $0xFFFFF086  }
0x1c: {  	p1 =	slt.u32 s9, $0xF7A;
	s5 =	simm.s32 @!p2 $0x0  }
0x1d: {  	s5 =	simm.s32 @p1 $0x1;
	p0 =	seq.s32 s7, s2  }
0x1e: {  	s7 =	smul.u32 @!p0 $0xF7A, s2;
	p2 =	seq.s32 @!p0 s5, $0x0  }
0x1f: {  	s9 =	smul.u32 $0xF7A, s1;
	s8 =	simm.s32 @!p0 $0x1BF5;
	p2 =	por !p2, p0  }
0x20: {  	[sflag:s8] =	ssyncset.s32 @!p0 $0xFFFFF086;
	s6 =	sadd.s32 @!p0 s3, s7;
	s7 =	simm.s32 @!p0 $0x108  }
0x21: {  	s3 =	sadd.s32 s3, s9;
	s6 =	sadd.s32 @!p0 $0x88, s6;
	s7 =	simm.s32 @p2 $0x1082  }
0x22: {  	[simem:s7], [sflag:s8] =	dma.local @!p0 [hbm:s6], $0xF7A  }
0x23: {  	s9 =	sor.u32 $0xD0000000, s2;
	s6 =	simm.s32 $0x108;
	_ =	swait.ge @!p0 [sflag:s8], $0x0  }
0x24: {  	s3 =	sadd.s32 $0x88, s3;
	s6 =	simm.s32 @!p1 $0x1082;
	[sflag:s4] =	ssyncset.s32 $0xFFFFF086  }
0x25: {  	[simem:s6], [sflag:s4] =	dma.local [hbm:s3], $0xF7A  }
0x26: {  	[smem:$0x3F9F] =	sst s1;
	(tag) =	ssettag s2;
	_ =	strace s9  }
0x27: {  	s1 =	sld [smem:$0x3FAF]  }
0x28: {  	s2 =	sld [smem:$0x3FB0]  }
0x29: {  	s4 =	sld [smem:$0x3FB2]  }
0x2a: {  	p0 =	seq.s32 s5, $0x0;
	s5 =	sld [smem:$0x3FB3]  }
0x2b: {  	s6 =	sld [smem:$0x3FB4]  }
0x2c: {  	s7 =	sld [smem:$0x3FB5]  }
0x2d: {  	s3 =	simm.s32 $0x108;
	s8 =	sld [smem:$0x3FB6]  }
0x2e: {  	s3 =	simm.s32 @!p0 $0x1082;
	s9 =	sld [smem:$0x3FB7]  }
0x2f: {  	lr =	sadd.s32 s0, s3;
	s0 =	sld [smem:$0x3FAE]  }
0x30: {  	s3 =	sld [smem:$0x3FB1]  }
0x31: {  	[smem:$0x3FBA] =	sst s10  }
0x32: {  	s10 =	sld [smem:$0x3FB8];
	_ =	sdelay $0x3  }
0x33: {  	p0 =	seq.s32 s10, $0x1;
	s10 =	sld [smem:$0x3FBA];
	_ =	sdelay $0x3  }
0x34: {  	[smem:$0x3FBA] =	sst s10  }
0x35: {  	s10 =	sld [smem:$0x3FB9];
	_ =	sdelay $0x3  }
0x36: {  	p1 =	seq.s32 s10, $0x1;
	s10 =	sld [smem:$0x3FBA];
	_ =	sdelay $0x3  }
0x37: {  	[smem:$0x3FBA] =	sst s10  }
0x38: {  	s10 =	sld [smem:$0x3FBB]  }
0x39: {  	_ = 	snop;
	(pc) =	sbr.ind lr, $3  }
0x3a: {  	_ = 	snop  }
0x3b: {  	_ = 	snop  }
0x3c: {  	p2 =	seq.s32 s10, $0x1;
	s10 =	sld [smem:$0x3FBA]  }
0x3d: {  	_ =	shalt  }
0x3e: {  	_ =	shalt  }
0x3f: {  	_ =	shalt  }
0x40: {  	_ =	shalt  }
0x41: {  	_ =	shalt  }
0x42: {  	_ =	shalt  }
0x43: {  	_ =	shalt  }
0x44: {  	_ =	shalt  }
0x45: {  	_ =	shalt  }
0x46: {  	_ =	shalt  }
0x47: {  	_ =	shalt  }
0x48: {  	_ =	shalt  }
0x49: {  	_ =	shalt  }
0x4a: {  	_ =	shalt  }
0x4b: {  	_ =	shalt  }
0x4c: {  	_ =	shalt  }
0x4d: {  	_ =	shalt  }
0x4e: {  	_ =	shalt  }
0x4f: {  	_ =	shalt  }
0x50: {  	_ =	shalt  }
0x51: {  	_ =	shalt  }
0x52: {  	_ =	shalt  }
0x53: {  	_ =	shalt  }
0x54: {  	_ =	shalt  }
0x55: {  	_ =	shalt  }
0x56: {  	_ =	shalt  }
0x57: {  	_ =	shalt  }
0x58: {  	_ =	shalt  }
0x59: {  	_ =	shalt  }
0x5a: {  	_ =	shalt  }
0x5b: {  	_ =	shalt  }
0x5c: {  	_ =	shalt  }
0x5d: {  	_ =	shalt  }
0x5e: {  	_ =	shalt  }
0x5f: {  	_ =	shalt  }
0x60: {  	_ =	shalt  }
0x61: {  	_ =	shalt  }
0x62: {  	_ =	shalt  }
0x63: {  	_ =	shalt  }
0x64: {  	_ =	shalt  }
0x65: {  	_ =	shalt  }
0x66: {  	_ =	shalt  }
0x67: {  	_ =	shalt  }
0x68: {  	_ =	shalt  }
0x69: {  	_ =	shalt  }
0x6a: {  	_ =	shalt  }
0x6b: {  	_ =	shalt  }
0x6c: {  	_ =	shalt  }
0x6d: {  	_ =	shalt  }
0x6e: {  	_ =	shalt  }
0x6f: {  	_ =	shalt  }
0x70: {  	_ =	shalt  }
0x71: {  	_ =	shalt  }
0x72: {  	_ =	shalt  }
0x73: {  	_ =	shalt  }
0x74: {  	_ =	shalt  }
0x75: {  	_ =	shalt  }
0x76: {  	_ =	shalt  }
0x77: {  	_ =	shalt  }
0x78: {  	_ =	shalt  }
0x79: {  	_ =	shalt  }
0x7a: {  	_ =	shalt  }
0x7b: {  	_ =	shalt  }
0x7c: {  	_ =	shalt  }
0x7d: {  	_ =	shalt  }
0x7e: {  	_ =	shalt  }
0x7f: {  	_ =	shalt  }
0x80: {  	_ =	shalt  }
0x81: {  	_ =	shalt  }
0x82: {  	_ =	shalt  }
0x83: {  	_ =	shalt  }
0x84: {  	_ =	shalt  }
0x85: {  	_ =	shalt  }
0x86: {  	_ =	shalt  }
0x87: {  	_ =	shalt  }
.Lfunc_end0:
.L_simem_size_0:
called_computation.1_lowered:
.L_overlay_start_0:
0x88: {  	s2 =	sld [smem:$0x3FD9]  }
0x89: {  	s3 =	sld [smem:$0x3FFE];
	_ =	sdelay $0x1  }
0x8a: {  	s1 =	srdreg.scid  }
0x8b: {  	s0 =	sand.u32 $0x1, s1  }
0x8c: {  	s17 =	sshll.u32 s0, $0xA;
	s2 =	sadd.s32 s3, s2  }
0x8d: {  	s2 =	sadd.s32 s2, s17  }
0x8e: {  	[smem:$0x3FC6] =	sst s2  }
0x8f: {  	_ = 	snop  }
0x90: {  	s2 =	sld [smem:$0x3FD0];
	(tm) =	ssettm $0x1  }
0x91: {  	s18 =	sld [smem:$0x3FFB];
	_ =	sdelay $0x3  }
0x92: {  	_ =	strace s18  }
0x93: {  	s3 =	sld [smem:$0x3FFC];
	_ =	sdelay $0x3  }
0x94: {  	_ =	strace s3  }
0x95: {  	s3 =	sld [smem:$0x3FFD];
	_ =	sdelay $0x3  }
0x96: {  	_ =	strace s3  }
0x97: {  	_ =	strace $0x8FFFFFFF  }
0x98: {  	s19 =	sld [smem:$0x3FDB];
	_ =	sdelay $0x1  }
0x99: {  	s4 =	simm.s32 $_scs_section_size  }
0x9a: {  	s5 =	simm.s32 $_size__tile_overlayer_lowered;
	s6 =	simm.s32 $_tile_overlayer_lowered  }
0x9b: {  	s22 =	simm.s32 $0x1BFF;
	s21 =	sshll.u32 s6, $0x1;
	s3 =	sadd.s32 s4, s19  }
0x9c: {  	s7 =	simm.s32 $0x0;
	s20 =	sshll.u32 s5, $0x1;
	s5 =	sadd.s32 s21, s3  }
0x9d: {  	[timem:s7], [sflag:s22] =	dma.local [hbm:s5], s20  }
0x9e: {  	_ =	swait.ge [sflag:s22], s20  }
0x9f: {  	s4 =	ssub.s32 $0x0, s20;
	[sflag:s22] =	ssyncset.done $0x0  }
0xa0: {  	[sflag:s22] =	ssyncadd.s32 s4;
	_ =	sdelay $0x1  }
0xa1: {  	s23 =	simm.s32 $0x1B8B  }
0xa2: {  	_ =	swait.ge [sflag:s23], $0x1  }
0xa3: {  	[sflag:s23] =	ssyncset.done $0x0  }
0xa4: {  	s25 =	simm.s32 $0x1B8E;
	s24 =	sld [smem:$0x3FFE];
	[sflag:s23] =	ssyncadd.s32 $0xFFFFFFFF  }
0xa5: {  	s26 =	simm.s32 $execute0_lowered;
	[smem:$0x3FD2] =	sst s25  }
0xa6: {  	s5 =	sshll.u32 s26, $0x1;
	_ =	strace $0x80000046;
	[dreg:$0x1] =	wrdreg $0xFFFFFFFF  }
0xa7: {  	s28 =	simm.s32 $_size_execute0_lowered;
	s3 =	sadd.s32 s3, s5;
	[dreg:$0x0] =	wrdreg $0x0  }
0xa8: {  	s5 =	sshll.u32 s28, $0x1;
	[dreg:$0x2] =	wrdreg s3  }
0xa9: {  	[dreg:$0x3] =	wrdreg s5  }
0xaa: {  	[dreg:$0x4] =	wrdreg $0xC0  }
0xab: {  	_ =	task [dreg:s7], $0x5FFFF  }
0xac: {  	[dreg:$0x1] =	wrdreg $0xFFFFFFFF  }
0xad: {  	[dreg:$0x0] =	wrdreg $0x60  }
0xae: {  	[dreg:$0x2] =	wrdreg s24  }
0xaf: {  	[dreg:$0x3] =	wrdreg s2  }
0xb0: {  	[dreg:$0x4] =	wrdreg $0x9  }
0xb1: {  	_ =	task.clear_ibuf [dreg:s7], $0x5FFFF;
	_ =	strace $0x90000046  }
0xb2: {  	s29 =	simm.s32 $0x9;
	_ =	strace $0x80000048  }
0xb3: {  	_ =	swait.ge [sflag:s29], $0x1  }
0xb4: {  	[sflag:s29] =	ssyncadd.s32 $0xFFFFFFFF  }
0xb5: {  	_ =	strace $0x90000048  }
0xb6: {  	_ =	sfence  }
0xb7: {  	s30 =	sld [smem:$0x0];
	_ =	sdelay $0x2  }
0xb8: {  	s31 =	sshll.u32 s1, $0xD;
	s1 =	sshrl.u32 s1, $0x2  }
0xb9: {  	s3 =	sand.u32 $0x4000, s31;
	s1 =	sadd.s32 s1, s30  }
0xba: {  	s0 =	sor.u32 s3, s0;
	s1 =	sshll.u32 s1, $0x11  }
0xbb: {  	s0 =	sor.u32 s1, s0  }
0xbc: {  	s0 =	sadd.s32 $0x8F2B, s0  }
0xbd: {  	[sflag:s0] =	ssyncadd.remote.s32 $0x1  }
0xbe: {  	_ =	sfence.sel $0xFFFF  }
0xbf: {  	[dreg:$0x0] =	wrdreg $0xFFFFFFFF;
	(pc) =	sbr.abs _section_cstart, $3  }
0xc0: {  	[dreg:$0x1] =	wrdreg $0xFFFFFFFF  }
0xc1: {  	_ =	task.clear_ibuf [dreg:s7], $0x2FFFF;
	_ =	strace $0x9FFFFFFF  }
0xc2: {  	(tm) =	ssettm $0x7FFFFFFF  }
0xc3: {  	_ =	shalt  }
tec
execute0_lowered:
.L_overlay_start_1:
0x0: {  	(tag) =	ssettag $0x1  }
0x1: {  	s0 =	srdreg.scid;
	s21 =	stileid.u32  }
0x2: {  	s0 =	sand.u32 $0x1, s0;
	s2 =	sshll.u32 s21, $0x1  }
0x3: {  	s2 =	sor.u32 s0, s2  }
0x4: {  	s1 =	rddreg [dreg:$0x0];
	s4 =	smul.u32 $0x680, s2  }
0x5: {  	s3 =	rddreg [dreg:$0x1];
	s30 =	simm.s32 $0x0;
	s2 =	sshll.u32 s2, $0x12  }
0x6: {  	[smem:$0x7FF] =	sst s30;
	s2 =	sadd.s32 s2, s1;
	s3 =	sadd.s32 s3, s4  }
0x7: {  	_ =	strace $0x80000047;
	s23 =	sadd.s32 $0xA00, s2;
	[dreg:$0x3] =	wrdreg s3  }
0x8: {  	s24 =	sadd.s32 $0xA10, s2;
	[dreg:$0x4] =	wrdreg s23  }
0x9: {  	s25 =	sadd.s32 $0xA20, s2;
	[dreg:$0x5] =	wrdreg s24  }
0xa: {  	s26 =	sadd.s32 $0xA30, s2;
	[dreg:$0x6] =	wrdreg s25  }
0xb: {  	s4 =	sadd.s32 $0xA40, s2;
	[dreg:$0x7] =	wrdreg s26  }
0xc: {  	s5 =	sadd.s32 $0xA50, s2;
	[dreg:$0x8] =	wrdreg s4  }
0xd: {  	s6 =	sadd.s32 $0xA60, s2;
	[dreg:$0x9] =	wrdreg s5  }
0xe: {  	s7 =	sadd.s32 $0xA70, s2;
	[dreg:$0xa] =	wrdreg s6  }
0xf: {  	s8 =	sadd.s32 $0xA80, s2;
	[dreg:$0xb] =	wrdreg s7  }
0x10: {  	s9 =	sadd.s32 $0xA90, s2;
	[dreg:$0xc] =	wrdreg s8  }
0x11: {  	s10 =	sadd.s32 $0xAA0, s2;
	[dreg:$0xd] =	wrdreg s9  }
0x12: {  	s11 =	sadd.s32 $0xAB0, s2;
	[dreg:$0xe] =	wrdreg s10  }
0x13: {  	s12 =	sadd.s32 $0xAC0, s2;
	[dreg:$0xf] =	wrdreg s11  }
0x14: {  	s13 =	sadd.s32 $0xAD0, s2;
	[dreg:$0x10] =	wrdreg s12  }
0x15: {  	s14 =	sadd.s32 $0xAE0, s2;
	[dreg:$0x11] =	wrdreg s13  }
0x16: {  	s15 =	sadd.s32 $0xAF0, s2;
	[dreg:$0x12] =	wrdreg s14  }
0x17: {  	s31 =	simm.s32 $0xB;
	s16 =	sadd.s32 $0xB00, s2;
	[dreg:$0x13] =	wrdreg s15  }
0x18: {  	s29 =	simm.s32 $0x2600;
	s17 =	sadd.s32 $0xB10, s2;
	[dreg:$0x14] =	wrdreg s16  }
0x19: {  	p0 =	por $0x0, $0x0;
	s18 =	sadd.s32 $0xB20, s2;
	[dreg:$0x15] =	wrdreg s17  }
0x1a: {  	s28 =	simm.s32 $0x2800;
	s19 =	sadd.s32 $0xB30, s2;
	[dreg:$0x16] =	wrdreg s18  }
0x1b: {  	s0 =	ssub.s32 $0x2, s0;
	s20 =	sadd.s32 $0xB40, s2;
	[dreg:$0x17] =	wrdreg s19  }
0x1c: {  	s22 =	sadd.s32 $0xB50, s2;
	[dreg:$0x18] =	wrdreg s20;
	s8 =	sadd.s32 $0xF42E00, s1  }
0x1d: {  	[dreg:$0x19] =	wrdreg s22;
	s23 =	sadd.s32 $0xB60, s2;
	s24 =	sadd.s32 $0xB70, s2  }
0x1e: {  	s25 =	sshrl.u32 s0, $0x1;
	s26 =	sadd.s32 $0xB80, s2;
	[dreg:$0x1a] =	wrdreg s23  }
0x1f: {  	s3 =	sadd.s32 $0xB90, s2;
	s12 =	simm.s32 $0x200;
	[dreg:$0x1b] =	wrdreg s24  }
0x20: {  	s2 =	simm.s32 $0x3400;
	s4 =	simm.s32 $0x400;
	[dreg:$0x1c] =	wrdreg s26  }
0x21: {  	s11 =	simm.s32 $0x7400;
	s5 =	simm.s32 $0x600;
	[dreg:$0x1d] =	wrdreg s3  }
0x22: {  	s10 =	simm.s32 $0xB400;
	s6 =	simm.s32 $0x800;
	[dreg:$0x1e] =	wrdreg s4  }
0x23: {  	s9 =	simm.s32 $0xF400;
	s7 =	simm.s32 $0xA00;
	[dreg:$0x1f] =	wrdreg s5  }
0x24: {  	s13 =	simm.s32 $0xC00;
	s14 =	simm.s32 $0xE00;
	[smem:$0x7F1] =	sst s6  }
0x25: {  	s15 =	simm.s32 $0x1200;
	s16 =	simm.s32 $0x1400;
	[smem:$0x7F2] =	sst s7  }
0x26: {  	s17 =	simm.s32 $0x1600;
	s20 =	simm.s32 $0x2;
	[smem:$0x7F3] =	sst s13  }
0x27: {  	s18 =	simm.s32 $0x1800;
	s19 =	simm.s32 $0x7;
	[smem:$0x7F4] =	sst s14  }
0x28: {  	s22 =	simm.s32 $0x1A00;
	s0 =	ssub.s32 s0, s25;
	[smem:$0x7F5] =	sst s15  }
0x29: {  	s5 =	simm.s32 $0x13400;
	s3 =	simm.s32 $0x1;
	[smem:$0x7F6] =	sst s16  }
0x2a: {  	s4 =	simm.s32 $0x20;
	s6 =	simm.s32 $0x1000;
	[smem:$0x7F7] =	sst s17  }
0x2b: {  	s7 =	simm.s32 $0x6;
	[smem:$0x7F8] =	sst s18;
	s18 =	simm.s32 $0x3  }
0x2c: {  	[smem:$0x7F9] =	sst s22;
	s23 =	simm.s32 $0x1C00;
	s17 =	simm.s32 $0x8  }
0x2d: {  	s24 =	simm.s32 $0x1E00;
	s16 =	simm.s32 $0x4;
	s0 =	smax.u32 s0, $0x1  }
0x2e: {  	s25 =	simm.s32 $0x2000;
	[smem:$0x7FA] =	sst s23;
	p1 =	sne.s32 s0, $0x1  }
.Ltmp0:
0x2f: {  	s15 =	simm.s32 $0x9;
	[smem:$0x7FB] =	sst s24;
	(pc) =	sbr.rel @!p1 .LBB2_1-.Ltmp0, $4  }
0x30: {  	s26 =	simm.s32 $0x2200;
	s14 =	simm.s32 $0x5;
	[smem:$0x7FC] =	sst s25  }
0x31: {  	s13 =	simm.s32 $0xA;
	s22 =	simm.s32 $0x3200;
	[smem:$0x7FD] =	sst s26  }
0x32: {  	s26 =	simm.s32 $0x2A00;
	s25 =	simm.s32 $0x2C00;
	s24 =	simm.s32 $0x2E00  }
0x33: {  	s23 =	simm.s32 $0x3000;
	s1 =	sadd.s32 $0xFFFFFFFF, s0;
	s0 =	rddreg [dreg:$0x3]  }
0x34: {  	[tilespmem:s30], [sflag:$0xB] =	stream.linear.gather [hbm4b:s0+s30], $0x3400, $0x38;
	[tilespmem:$0x17400] =	vst v63  }
0x35: {  	_ =	swait.ge [sflag:s31], $0x3400  }
0x36: {  	[sflag:s31] =	ssyncset.done $0x0  }
0x37: {  	[sflag:s31] =	ssyncadd.s32 $0xFFFFCC00  }
0x38: {  	[tilespmem:s2], [sflag:$0x1] =	stream.indirect.gather [hbm4b:s8+s12], $0x20, s30, s12, $0xb8;
	[tilespmem:$0x17400] =	vst v63  }
0x39: {  	s0 =	rddreg [dreg:$0x1e]  }
0x3a: {  	[tilespmem:s11], [sflag:$0x2] =	stream.indirect.gather [hbm4b:s8+s12], $0x20, s12, s12, $0xb8;
	[tilespmem:$0x17400] =	vst v63  }
0x3b: {  	s21 =	smov.u32 s1;
	s1 =	rddreg [dreg:$0x1f]  }
0x3c: {  	[tilespmem:s10], [sflag:$0x3] =	stream.indirect.gather [hbm4b:s8+s12], $0x20, s0, s12, $0xb8;
	[tilespmem:$0x17400] =	vst v63  }
0x3d: {  	s0 =	sld [smem:$0x7F1]  }
0x3e: {  	[tilespmem:s9], [sflag:$0x4] =	stream.indirect.gather [hbm4b:s8+s12], $0x20, s1, s12, $0xb8;
	[tilespmem:$0x17400] =	vst v63  }
0x3f: {  	_ = 	snop  }
0x40: {  	[tilespmem:s5], [sflag:$0x5] =	stream.indirect.gather [hbm4b:s8+s12], $0x20, s0, s12, $0xb8;
	[tilespmem:$0x17400] =	vst v63  }
0x41: {  	_ =	swait.ge [sflag:s3], $0x4000  }
0x42: {  	[sflag:s3] =	ssyncset.done $0x0  }
0x43: {  	s1 =	rddreg [dreg:$0x4];
	[sflag:s3] =	ssyncadd.s32 $0xFFFFC000  }
0x44: {  	[hbm4b:s1+s4] =	stream.strided.scatter [tilespmem:s2], [sflag:$0x6], $0x4000, s6, s4, $0x38;
	[tilespmem:$0x17400] =	vst v63  }
0x45: {  	_ =	swait.ge [sflag:s7], $0x4000  }
0x46: {  	s1 =	sld [smem:$0x7F2]  }
0x47: {  	[sflag:s7] =	ssyncset.done $0x0  }
0x48: {  	[sflag:s7] =	ssyncadd.s32 $0xFFFFC000  }
0x49: {  	[tilespmem:s2], [sflag:$0x1] =	stream.indirect.gather [hbm4b:s8+s12], $0x20, s1, s12, $0xb8;
	[tilespmem:$0x17400] =	vst v63  }
0x4a: {  	_ =	swait.ge [sflag:s20], $0x4000  }
0x4b: {  	[sflag:s20] =	ssyncset.done $0x0  }
0x4c: {  	s1 =	rddreg [dreg:$0x5];
	[sflag:s20] =	ssyncadd.s32 $0xFFFFC000  }
0x4d: {  	[hbm4b:s1+s4] =	stream.strided.scatter [tilespmem:s11], [sflag:$0x7], $0x4000, s6, s4, $0x38;
	[tilespmem:$0x17400] =	vst v63  }
0x4e: {  	_ =	swait.ge [sflag:s19], $0x4000  }
0x4f: {  	s1 =	sld [smem:$0x7F3]  }
0x50: {  	[sflag:s19] =	ssyncset.done $0x0  }
0x51: {  	[sflag:s19] =	ssyncadd.s32 $0xFFFFC000  }
0x52: {  	[tilespmem:s11], [sflag:$0x2] =	stream.indirect.gather [hbm4b:s8+s12], $0x20, s1, s12, $0xb8;
	[tilespmem:$0x17400] =	vst v63  }
0x53: {  	_ =	swait.ge [sflag:s18], $0x4000  }
0x54: {  	[sflag:s18] =	ssyncset.done $0x0  }
0x55: {  	s1 =	rddreg [dreg:$0x6];
	[sflag:s18] =	ssyncadd.s32 $0xFFFFC000  }
0x56: {  	[hbm4b:s1+s4] =	stream.strided.scatter [tilespmem:s10], [sflag:$0x8], $0x4000, s6, s4, $0x38;
	[tilespmem:$0x17400] =	vst v63  }
0x57: {  	_ =	swait.ge [sflag:s17], $0x4000  }
0x58: {  	s1 =	sld [smem:$0x7F4]  }
0x59: {  	[sflag:s17] =	ssyncset.done $0x0  }
0x5a: {  	[sflag:s17] =	ssyncadd.s32 $0xFFFFC000  }
0x5b: {  	[tilespmem:s10], [sflag:$0x3] =	stream.indirect.gather [hbm4b:s8+s12], $0x20, s1, s12, $0xb8;
	[tilespmem:$0x17400] =	vst v63  }
0x5c: {  	_ =	swait.ge [sflag:s16], $0x4000  }
0x5d: {  	[sflag:s16] =	ssyncset.done $0x0  }
0x5e: {  	s1 =	rddreg [dreg:$0x7];
	[sflag:s16] =	ssyncadd.s32 $0xFFFFC000  }
0x5f: {  	[hbm4b:s1+s4] =	stream.strided.scatter [tilespmem:s9], [sflag:$0x9], $0x4000, s6, s4, $0x38;
	[tilespmem:$0x17400] =	vst v63  }
0x60: {  	_ =	swait.ge [sflag:s15], $0x4000  }
0x61: {  	[sflag:s15] =	ssyncset.done $0x0  }
0x62: {  	[sflag:s15] =	ssyncadd.s32 $0xFFFFC000  }
0x63: {  	[tilespmem:s9], [sflag:$0x4] =	stream.indirect.gather [hbm4b:s8+s12], $0x20, s6, s12, $0xb8;
	[tilespmem:$0x17400] =	vst v63  }
0x64: {  	_ =	swait.ge [sflag:s14], $0x4000  }
0x65: {  	[sflag:s14] =	ssyncset.done $0x0  }
0x66: {  	s1 =	rddreg [dreg:$0x8];
	[sflag:s14] =	ssyncadd.s32 $0xFFFFC000  }
0x67: {  	[hbm4b:s1+s4] =	stream.strided.scatter [tilespmem:s5], [sflag:$0xA], $0x4000, s6, s4, $0x38;
	[tilespmem:$0x17400] =	vst v63  }
0x68: {  	_ =	swait.ge [sflag:s13], $0x4000  }
0x69: {  	s1 =	sld [smem:$0x7F5]  }
0x6a: {  	[sflag:s13] =	ssyncset.done $0x0  }
0x6b: {  	[sflag:s13] =	ssyncadd.s32 $0xFFFFC000  }
0x6c: {  	[tilespmem:s5], [sflag:$0x5] =	stream.indirect.gather [hbm4b:s8+s12], $0x20, s1, s12, $0xb8;
	[tilespmem:$0x17400] =	vst v63  }
0x6d: {  	_ =	swait.ge [sflag:s3], $0x4000  }
0x6e: {  	[sflag:s3] =	ssyncset.done $0x0  }
0x6f: {  	s1 =	rddreg [dreg:$0x9];
	[sflag:s3] =	ssyncadd.s32 $0xFFFFC000  }
0x70: {  	[hbm4b:s1+s4] =	stream.strided.scatter [tilespmem:s2], [sflag:$0x6], $0x4000, s6, s4, $0x38;
	[tilespmem:$0x17400] =	vst v63  }
0x71: {  	_ =	swait.ge [sflag:s7], $0x4000  }
0x72: {  	s1 =	sld [smem:$0x7F6]  }
0x73: {  	[sflag:s7] =	ssyncset.done $0x0  }
0x74: {  	[sflag:s7] =	ssyncadd.s32 $0xFFFFC000  }
0x75: {  	[tilespmem:s2], [sflag:$0x1] =	stream.indirect.gather [hbm4b:s8+s12], $0x20, s1, s12, $0xb8;
	[tilespmem:$0x17400] =	vst v63  }
0x76: {  	_ =	swait.ge [sflag:s20], $0x4000  }
0x77: {  	[sflag:s20] =	ssyncset.done $0x0  }
0x78: {  	s1 =	rddreg [dreg:$0xa];
	[sflag:s20] =	ssyncadd.s32 $0xFFFFC000  }
0x79: {  	[hbm4b:s1+s4] =	stream.strided.scatter [tilespmem:s11], [sflag:$0x7], $0x4000, s6, s4, $0x38;
	[tilespmem:$0x17400] =	vst v63  }
0x7a: {  	_ =	swait.ge [sflag:s19], $0x4000  }
0x7b: {  	s1 =	sld [smem:$0x7F7]  }
0x7c: {  	[sflag:s19] =	ssyncset.done $0x0  }
0x7d: {  	[sflag:s19] =	ssyncadd.s32 $0xFFFFC000  }
0x7e: {  	[tilespmem:s11], [sflag:$0x2] =	stream.indirect.gather [hbm4b:s8+s12], $0x20, s1, s12, $0xb8;
	[tilespmem:$0x17400] =	vst v63  }
0x7f: {  	_ =	swait.ge [sflag:s18], $0x4000  }
0x80: {  	[sflag:s18] =	ssyncset.done $0x0  }
0x81: {  	s1 =	rddreg [dreg:$0xb];
	[sflag:s18] =	ssyncadd.s32 $0xFFFFC000  }
0x82: {  	[hbm4b:s1+s4] =	stream.strided.scatter [tilespmem:s10], [sflag:$0x8], $0x4000, s6, s4, $0x38;
	[tilespmem:$0x17400] =	vst v63  }
0x83: {  	_ =	swait.ge [sflag:s17], $0x4000  }
0x84: {  	s1 =	sld [smem:$0x7F8]  }
0x85: {  	[sflag:s17] =	ssyncset.done $0x0  }
0x86: {  	[sflag:s17] =	ssyncadd.s32 $0xFFFFC000  }
0x87: {  	[tilespmem:s10], [sflag:$0x3] =	stream.indirect.gather [hbm4b:s8+s12], $0x20, s1, s12, $0xb8;
	[tilespmem:$0x17400] =	vst v63  }
0x88: {  	_ =	swait.ge [sflag:s16], $0x4000  }
0x89: {  	[sflag:s16] =	ssyncset.done $0x0  }
0x8a: {  	s1 =	rddreg [dreg:$0xc];
	[sflag:s16] =	ssyncadd.s32 $0xFFFFC000  }
0x8b: {  	[hbm4b:s1+s4] =	stream.strided.scatter [tilespmem:s9], [sflag:$0x9], $0x4000, s6, s4, $0x38;
	[tilespmem:$0x17400] =	vst v63  }
0x8c: {  	_ =	swait.ge [sflag:s15], $0x4000  }
0x8d: {  	s1 =	sld [smem:$0x7F9]  }
0x8e: {  	[sflag:s15] =	ssyncset.done $0x0  }
0x8f: {  	[sflag:s15] =	ssyncadd.s32 $0xFFFFC000  }
0x90: {  	[tilespmem:s9], [sflag:$0x4] =	stream.indirect.gather [hbm4b:s8+s12], $0x20, s1, s12, $0xb8;
	[tilespmem:$0x17400] =	vst v63  }
0x91: {  	_ =	swait.ge [sflag:s14], $0x4000  }
0x92: {  	[sflag:s14] =	ssyncset.done $0x0  }
0x93: {  	s1 =	rddreg [dreg:$0xd];
	[sflag:s14] =	ssyncadd.s32 $0xFFFFC000  }
0x94: {  	[hbm4b:s1+s4] =	stream.strided.scatter [tilespmem:s5], [sflag:$0xA], $0x4000, s6, s4, $0x38;
	[tilespmem:$0x17400] =	vst v63  }
0x95: {  	_ =	swait.ge [sflag:s13], $0x4000  }
0x96: {  	s1 =	sld [smem:$0x7FA]  }
0x97: {  	[sflag:s13] =	ssyncset.done $0x0  }
0x98: {  	[sflag:s13] =	ssyncadd.s32 $0xFFFFC000  }
0x99: {  	[tilespmem:s5], [sflag:$0x5] =	stream.indirect.gather [hbm4b:s8+s12], $0x20, s1, s12, $0xb8;
	[tilespmem:$0x17400] =	vst v63  }
0x9a: {  	_ =	swait.ge [sflag:s3], $0x4000  }
0x9b: {  	[sflag:s3] =	ssyncset.done $0x0  }
0x9c: {  	s1 =	rddreg [dreg:$0xe];
	[sflag:s3] =	ssyncadd.s32 $0xFFFFC000  }
0x9d: {  	[hbm4b:s1+s4] =	stream.strided.scatter [tilespmem:s2], [sflag:$0x6], $0x4000, s6, s4, $0x38;
	[tilespmem:$0x17400] =	vst v63  }
0x9e: {  	_ =	swait.ge [sflag:s7], $0x4000  }
0x9f: {  	s1 =	sld [smem:$0x7FB]  }
0xa0: {  	[sflag:s7] =	ssyncset.done $0x0  }
0xa1: {  	[sflag:s7] =	ssyncadd.s32 $0xFFFFC000  }
0xa2: {  	[tilespmem:s2], [sflag:$0x1] =	stream.indirect.gather [hbm4b:s8+s12], $0x20, s1, s12, $0xb8;
	[tilespmem:$0x17400] =	vst v63  }
0xa3: {  	_ =	swait.ge [sflag:s20], $0x4000  }
0xa4: {  	[sflag:s20] =	ssyncset.done $0x0  }
0xa5: {  	s1 =	rddreg [dreg:$0xf];
	[sflag:s20] =	ssyncadd.s32 $0xFFFFC000  }
0xa6: {  	[hbm4b:s1+s4] =	stream.strided.scatter [tilespmem:s11], [sflag:$0x7], $0x4000, s6, s4, $0x38;
	[tilespmem:$0x17400] =	vst v63  }
0xa7: {  	_ =	swait.ge [sflag:s19], $0x4000  }
0xa8: {  	s1 =	sld [smem:$0x7FC]  }
0xa9: {  	[sflag:s19] =	ssyncset.done $0x0  }
0xaa: {  	[sflag:s19] =	ssyncadd.s32 $0xFFFFC000  }
0xab: {  	[tilespmem:s11], [sflag:$0x2] =	stream.indirect.gather [hbm4b:s8+s12], $0x20, s1, s12, $0xb8;
	[tilespmem:$0x17400] =	vst v63  }
0xac: {  	_ =	swait.ge [sflag:s18], $0x4000  }
0xad: {  	[sflag:s18] =	ssyncset.done $0x0  }
0xae: {  	s1 =	rddreg [dreg:$0x10];
	[sflag:s18] =	ssyncadd.s32 $0xFFFFC000  }
0xaf: {  	[hbm4b:s1+s4] =	stream.strided.scatter [tilespmem:s10], [sflag:$0x8], $0x4000, s6, s4, $0x38;
	[tilespmem:$0x17400] =	vst v63  }
0xb0: {  	_ =	swait.ge [sflag:s17], $0x4000  }
0xb1: {  	s1 =	sld [smem:$0x7FD]  }
0xb2: {  	[sflag:s17] =	ssyncset.done $0x0  }
0xb3: {  	[sflag:s17] =	ssyncadd.s32 $0xFFFFC000  }
0xb4: {  	[tilespmem:s10], [sflag:$0x3] =	stream.indirect.gather [hbm4b:s8+s12], $0x20, s1, s12, $0xb8;
	[tilespmem:$0x17400] =	vst v63  }
0xb5: {  	_ =	swait.ge [sflag:s16], $0x4000  }
0xb6: {  	[sflag:s16] =	ssyncset.done $0x0  }
0xb7: {  	s1 =	rddreg [dreg:$0x11];
	[sflag:s16] =	ssyncadd.s32 $0xFFFFC000  }
0xb8: {  	[hbm4b:s1+s4] =	stream.strided.scatter [tilespmem:s9], [sflag:$0x9], $0x4000, s6, s4, $0x38;
	[tilespmem:$0x17400] =	vst v63  }
0xb9: {  	_ =	swait.ge [sflag:s15], $0x4000  }
0xba: {  	[sflag:s15] =	ssyncset.done $0x0  }
0xbb: {  	s1 =	simm.s32 $0x2400;
	[sflag:s15] =	ssyncadd.s32 $0xFFFFC000  }
0xbc: {  	[tilespmem:s9], [sflag:$0x4] =	stream.indirect.gather [hbm4b:s8+s12], $0x20, s1, s12, $0xb8;
	[tilespmem:$0x17400] =	vst v63  }
0xbd: {  	_ =	swait.ge [sflag:s14], $0x4000  }
0xbe: {  	[sflag:s14] =	ssyncset.done $0x0  }
0xbf: {  	s1 =	rddreg [dreg:$0x12];
	[sflag:s14] =	ssyncadd.s32 $0xFFFFC000  }
0xc0: {  	[hbm4b:s1+s4] =	stream.strided.scatter [tilespmem:s5], [sflag:$0xA], $0x4000, s6, s4, $0x38;
	[tilespmem:$0x17400] =	vst v63  }
0xc1: {  	_ =	swait.ge [sflag:s13], $0x4000  }
0xc2: {  	[sflag:s13] =	ssyncset.done $0x0  }
0xc3: {  	[sflag:s13] =	ssyncadd.s32 $0xFFFFC000  }
0xc4: {  	[tilespmem:s5], [sflag:$0x5] =	stream.indirect.gather [hbm4b:s8+s12], $0x20, s29, s12, $0xb8;
	[tilespmem:$0x17400] =	vst v63  }
0xc5: {  	_ =	swait.ge [sflag:s3], $0x4000  }
0xc6: {  	[sflag:s3] =	ssyncset.done $0x0  }
0xc7: {  	s1 =	rddreg [dreg:$0x13];
	[sflag:s3] =	ssyncadd.s32 $0xFFFFC000  }
0xc8: {  	[hbm4b:s1+s4] =	stream.strided.scatter [tilespmem:s2], [sflag:$0x6], $0x4000, s6, s4, $0x38;
	[tilespmem:$0x17400] =	vst v63  }
0xc9: {  	_ =	swait.ge [sflag:s7], $0x4000  }
0xca: {  	[sflag:s7] =	ssyncset.done $0x0  }
0xcb: {  	[sflag:s7] =	ssyncadd.s32 $0xFFFFC000  }
0xcc: {  	[tilespmem:s2], [sflag:$0x1] =	stream.indirect.gather [hbm4b:s8+s12], $0x20, s28, s12, $0xb8;
	[tilespmem:$0x17400] =	vst v63  }
0xcd: {  	_ =	swait.ge [sflag:s20], $0x4000  }
0xce: {  	[sflag:s20] =	ssyncset.done $0x0  }
0xcf: {  	s1 =	rddreg [dreg:$0x14];
	[sflag:s20] =	ssyncadd.s32 $0xFFFFC000  }
0xd0: {  	[hbm4b:s1+s4] =	stream.strided.scatter [tilespmem:s11], [sflag:$0x7], $0x4000, s6, s4, $0x38;
	[tilespmem:$0x17400] =	vst v63  }
0xd1: {  	_ =	swait.ge [sflag:s19], $0x4000  }
0xd2: {  	[sflag:s19] =	ssyncset.done $0x0  }
0xd3: {  	[sflag:s19] =	ssyncadd.s32 $0xFFFFC000  }
0xd4: {  	[tilespmem:s11], [sflag:$0x2] =	stream.indirect.gather [hbm4b:s8+s12], $0x20, s26, s12, $0xb8;
	[tilespmem:$0x17400] =	vst v63  }
0xd5: {  	_ =	swait.ge [sflag:s18], $0x4000  }
0xd6: {  	[sflag:s18] =	ssyncset.done $0x0  }
0xd7: {  	s1 =	rddreg [dreg:$0x15];
	[sflag:s18] =	ssyncadd.s32 $0xFFFFC000  }
0xd8: {  	[hbm4b:s1+s4] =	stream.strided.scatter [tilespmem:s10], [sflag:$0x8], $0x4000, s6, s4, $0x38;
	[tilespmem:$0x17400] =	vst v63  }
0xd9: {  	_ =	swait.ge [sflag:s17], $0x4000  }
0xda: {  	[sflag:s17] =	ssyncset.done $0x0  }
0xdb: {  	[sflag:s17] =	ssyncadd.s32 $0xFFFFC000  }
0xdc: {  	[tilespmem:s10], [sflag:$0x3] =	stream.indirect.gather [hbm4b:s8+s12], $0x20, s25, s12, $0xb8;
	[tilespmem:$0x17400] =	vst v63  }
0xdd: {  	_ =	swait.ge [sflag:s16], $0x4000  }
0xde: {  	[sflag:s16] =	ssyncset.done $0x0  }
0xdf: {  	s1 =	rddreg [dreg:$0x16];
	[sflag:s16] =	ssyncadd.s32 $0xFFFFC000  }
0xe0: {  	[hbm4b:s1+s4] =	stream.strided.scatter [tilespmem:s9], [sflag:$0x9], $0x4000, s6, s4, $0x38;
	[tilespmem:$0x17400] =	vst v63  }
0xe1: {  	_ =	swait.ge [sflag:s15], $0x4000  }
0xe2: {  	[sflag:s15] =	ssyncset.done $0x0  }
0xe3: {  	[sflag:s15] =	ssyncadd.s32 $0xFFFFC000  }
0xe4: {  	[tilespmem:s9], [sflag:$0x4] =	stream.indirect.gather [hbm4b:s8+s12], $0x20, s24, s12, $0xb8;
	[tilespmem:$0x17400] =	vst v63  }
0xe5: {  	_ =	swait.ge [sflag:s14], $0x4000  }
0xe6: {  	[sflag:s14] =	ssyncset.done $0x0  }
0xe7: {  	s1 =	rddreg [dreg:$0x17];
	[sflag:s14] =	ssyncadd.s32 $0xFFFFC000  }
0xe8: {  	[hbm4b:s1+s4] =	stream.strided.scatter [tilespmem:s5], [sflag:$0xA], $0x4000, s6, s4, $0x38;
	[tilespmem:$0x17400] =	vst v63  }
0xe9: {  	_ =	swait.ge [sflag:s13], $0x4000  }
0xea: {  	[sflag:s13] =	ssyncset.done $0x0  }
0xeb: {  	[sflag:s13] =	ssyncadd.s32 $0xFFFFC000  }
0xec: {  	[tilespmem:s5], [sflag:$0x5] =	stream.indirect.gather [hbm4b:s8+s12], $0x20, s23, s12, $0xb8;
	[tilespmem:$0x17400] =	vst v63  }
0xed: {  	_ =	swait.ge [sflag:s3], $0x4000  }
0xee: {  	[sflag:s3] =	ssyncset.done $0x0  }
0xef: {  	s1 =	rddreg [dreg:$0x18];
	[sflag:s3] =	ssyncadd.s32 $0xFFFFC000  }
0xf0: {  	[hbm4b:s1+s4] =	stream.strided.scatter [tilespmem:s2], [sflag:$0x6], $0x4000, s6, s4, $0x38;
	[tilespmem:$0x17400] =	vst v63  }
0xf1: {  	_ =	swait.ge [sflag:s7], $0x4000  }
0xf2: {  	[sflag:s7] =	ssyncset.done $0x0  }
0xf3: {  	[sflag:s7] =	ssyncadd.s32 $0xFFFFC000  }
0xf4: {  	[tilespmem:s2], [sflag:$0x1] =	stream.indirect.gather [hbm4b:s8+s12], $0x20, s22, s12, $0xb8;
	[tilespmem:$0x17400] =	vst v63  }
0xf5: {  	_ =	swait.ge [sflag:s20], $0x4000  }
0xf6: {  	[sflag:s20] =	ssyncset.done $0x0  }
0xf7: {  	s1 =	rddreg [dreg:$0x19];
	[sflag:s20] =	ssyncadd.s32 $0xFFFFC000  }
0xf8: {  	[hbm4b:s1+s4] =	stream.strided.scatter [tilespmem:s11], [sflag:$0x7], $0x4000, s6, s4, $0x38;
	[tilespmem:$0x17400] =	vst v63  }
0xf9: {  	_ =	swait.ge [sflag:s19], $0x4000  }
0xfa: {  	[sflag:s19] =	ssyncset.done $0x0  }
0xfb: {  	[sflag:s19] =	ssyncadd.s32 $0xFFFFC000  }
0xfc: {  	_ =	swait.ge [sflag:s18], $0x4000  }
0xfd: {  	[sflag:s18] =	ssyncset.done $0x0  }
0xfe: {  	s1 =	rddreg [dreg:$0x1a];
	[sflag:s18] =	ssyncadd.s32 $0xFFFFC000  }
0xff: {  	[hbm4b:s1+s4] =	stream.strided.scatter [tilespmem:s10], [sflag:$0x8], $0x4000, s6, s4, $0x38;
	[tilespmem:$0x17400] =	vst v63  }
0x100: {  	_ =	swait.ge [sflag:s17], $0x4000  }
0x101: {  	[sflag:s17] =	ssyncset.done $0x0  }
0x102: {  	[sflag:s17] =	ssyncadd.s32 $0xFFFFC000  }
0x103: {  	_ =	swait.ge [sflag:s16], $0x4000  }
0x104: {  	[sflag:s16] =	ssyncset.done $0x0  }
0x105: {  	s1 =	rddreg [dreg:$0x1b];
	[sflag:s16] =	ssyncadd.s32 $0xFFFFC000  }
0x106: {  	[hbm4b:s1+s4] =	stream.strided.scatter [tilespmem:s9], [sflag:$0x9], $0x4000, s6, s4, $0x38;
	[tilespmem:$0x17400] =	vst v63  }
0x107: {  	_ =	swait.ge [sflag:s15], $0x4000  }
0x108: {  	[sflag:s15] =	ssyncset.done $0x0  }
0x109: {  	[sflag:s15] =	ssyncadd.s32 $0xFFFFC000  }
0x10a: {  	_ =	swait.ge [sflag:s14], $0x4000  }
0x10b: {  	[sflag:s14] =	ssyncset.done $0x0  }
0x10c: {  	s1 =	rddreg [dreg:$0x1c];
	[sflag:s14] =	ssyncadd.s32 $0xFFFFC000  }
0x10d: {  	[hbm4b:s1+s4] =	stream.strided.scatter [tilespmem:s5], [sflag:$0xA], $0x4000, s6, s4, $0x38;
	[tilespmem:$0x17400] =	vst v63  }
0x10e: {  	_ =	swait.ge [sflag:s13], $0x4000  }
0x10f: {  	[sflag:s13] =	ssyncset.done $0x0  }
0x110: {  	[sflag:s13] =	ssyncadd.s32 $0xFFFFC000  }
0x111: {  	p1 =	sne.s32 s21, $0x1;
	_ =	swait.ge [sflag:s3], $0x4000  }
.Ltmp1:
0x112: {  	[sflag:s3] =	ssyncset.done $0x0;
	(pc) =	sbr.rel @!p1 .LBB2_3-.Ltmp1, $4  }
0x113: {  	s1 =	rddreg [dreg:$0x1d];
	[sflag:s3] =	ssyncadd.s32 $0xFFFFC000  }
0x114: {  	[hbm4b:s1+s4] =	stream.strided.scatter [tilespmem:s2], [sflag:$0x6], $0x4000, s6, s4, $0x38;
	[tilespmem:$0x17400] =	vst v63  }
0x115: {  	p0 =	por $0x1, $0x1;
	_ =	swait.ge [sflag:s7], $0x4000  }
0x116: {  	s1 =	sadd.s32 $0xFFFFFFFF, s21;
	s0 =	rddreg [dreg:$0x3];
	[sflag:s7] =	ssyncset.done $0x0  }
.LBB2_4:
0x117: {  	[sflag:s7] =	ssyncadd.s32 $0xFFFFC000  }
0x118: {  	[tilespmem:s30], [sflag:$0xB] =	stream.linear.gather [hbm4b:s0+s30], $0x3400, $0x38;
	[tilespmem:$0x17400] =	vst v63  }
0x119: {  	_ =	swait.ge [sflag:s31], $0x3400  }
0x11a: {  	[sflag:s31] =	ssyncset.done $0x0  }
0x11b: {  	[sflag:s31] =	ssyncadd.s32 $0xFFFFCC00  }
0x11c: {  	[tilespmem:s2], [sflag:$0x1] =	stream.indirect.gather [hbm4b:s8+s12], $0x20, s30, s12, $0xb8;
	[tilespmem:$0x17400] =	vst v63  }
0x11d: {  	s0 =	rddreg [dreg:$0x1e]  }
0x11e: {  	[tilespmem:s11], [sflag:$0x2] =	stream.indirect.gather [hbm4b:s8+s12], $0x20, s12, s12, $0xb8;
	[tilespmem:$0x17400] =	vst v63  }
0x11f: {  	s21 =	rddreg [dreg:$0x1f]  }
0x120: {  	[tilespmem:s10], [sflag:$0x3] =	stream.indirect.gather [hbm4b:s8+s12], $0x20, s0, s12, $0xb8;
	[tilespmem:$0x17400] =	vst v63  }
0x121: {  	s0 =	sld [smem:$0x7F1]  }
0x122: {  	[tilespmem:s9], [sflag:$0x4] =	stream.indirect.gather [hbm4b:s8+s12], $0x20, s21, s12, $0xb8;
	[tilespmem:$0x17400] =	vst v63  }
0x123: {  	_ = 	snop  }
0x124: {  	[tilespmem:s5], [sflag:$0x5] =	stream.indirect.gather [hbm4b:s8+s12], $0x20, s0, s12, $0xb8;
	[tilespmem:$0x17400] =	vst v63  }
0x125: {  	_ =	swait.ge [sflag:s3], $0x4000  }
0x126: {  	[sflag:s3] =	ssyncset.done $0x0  }
0x127: {  	s21 =	rddreg [dreg:$0x4];
	[sflag:s3] =	ssyncadd.s32 $0xFFFFC000  }
0x128: {  	[hbm4b:s21+s4] =	stream.strided.scatter [tilespmem:s2], [sflag:$0x6], $0x4000, s6, s4, $0x38;
	[tilespmem:$0x17400] =	vst v63  }
0x129: {  	_ =	swait.ge [sflag:s7], $0x4000  }
0x12a: {  	s21 =	sld [smem:$0x7F2]  }
0x12b: {  	[sflag:s7] =	ssyncset.done $0x0  }
0x12c: {  	[sflag:s7] =	ssyncadd.s32 $0xFFFFC000  }
0x12d: {  	[tilespmem:s2], [sflag:$0x1] =	stream.indirect.gather [hbm4b:s8+s12], $0x20, s21, s12, $0xb8;
	[tilespmem:$0x17400] =	vst v63  }
0x12e: {  	_ =	swait.ge [sflag:s20], $0x4000  }
0x12f: {  	[sflag:s20] =	ssyncset.done $0x0  }
0x130: {  	s21 =	rddreg [dreg:$0x5];
	[sflag:s20] =	ssyncadd.s32 $0xFFFFC000  }
0x131: {  	[hbm4b:s21+s4] =	stream.strided.scatter [tilespmem:s11], [sflag:$0x7], $0x4000, s6, s4, $0x38;
	[tilespmem:$0x17400] =	vst v63  }
0x132: {  	_ =	swait.ge [sflag:s19], $0x4000  }
0x133: {  	s21 =	sld [smem:$0x7F3]  }
0x134: {  	[sflag:s19] =	ssyncset.done $0x0  }
0x135: {  	[sflag:s19] =	ssyncadd.s32 $0xFFFFC000  }
0x136: {  	[tilespmem:s11], [sflag:$0x2] =	stream.indirect.gather [hbm4b:s8+s12], $0x20, s21, s12, $0xb8;
	[tilespmem:$0x17400] =	vst v63  }
0x137: {  	_ =	swait.ge [sflag:s18], $0x4000  }
0x138: {  	[sflag:s18] =	ssyncset.done $0x0  }
0x139: {  	s21 =	rddreg [dreg:$0x6];
	[sflag:s18] =	ssyncadd.s32 $0xFFFFC000  }
0x13a: {  	[hbm4b:s21+s4] =	stream.strided.scatter [tilespmem:s10], [sflag:$0x8], $0x4000, s6, s4, $0x38;
	[tilespmem:$0x17400] =	vst v63  }
0x13b: {  	_ =	swait.ge [sflag:s17], $0x4000  }
0x13c: {  	s21 =	sld [smem:$0x7F4]  }
0x13d: {  	[sflag:s17] =	ssyncset.done $0x0  }
0x13e: {  	[sflag:s17] =	ssyncadd.s32 $0xFFFFC000  }
0x13f: {  	[tilespmem:s10], [sflag:$0x3] =	stream.indirect.gather [hbm4b:s8+s12], $0x20, s21, s12, $0xb8;
	[tilespmem:$0x17400] =	vst v63  }
0x140: {  	_ =	swait.ge [sflag:s16], $0x4000  }
0x141: {  	[sflag:s16] =	ssyncset.done $0x0  }
0x142: {  	s21 =	rddreg [dreg:$0x7];
	[sflag:s16] =	ssyncadd.s32 $0xFFFFC000  }
0x143: {  	[hbm4b:s21+s4] =	stream.strided.scatter [tilespmem:s9], [sflag:$0x9], $0x4000, s6, s4, $0x38;
	[tilespmem:$0x17400] =	vst v63  }
0x144: {  	_ =	swait.ge [sflag:s15], $0x4000  }
0x145: {  	[sflag:s15] =	ssyncset.done $0x0  }
0x146: {  	[sflag:s15] =	ssyncadd.s32 $0xFFFFC000  }
0x147: {  	[tilespmem:s9], [sflag:$0x4] =	stream.indirect.gather [hbm4b:s8+s12], $0x20, s6, s12, $0xb8;
	[tilespmem:$0x17400] =	vst v63  }
0x148: {  	_ =	swait.ge [sflag:s14], $0x4000  }
0x149: {  	[sflag:s14] =	ssyncset.done $0x0  }
0x14a: {  	s21 =	rddreg [dreg:$0x8];
	[sflag:s14] =	ssyncadd.s32 $0xFFFFC000  }
0x14b: {  	[hbm4b:s21+s4] =	stream.strided.scatter [tilespmem:s5], [sflag:$0xA], $0x4000, s6, s4, $0x38;
	[tilespmem:$0x17400] =	vst v63  }
0x14c: {  	_ =	swait.ge [sflag:s13], $0x4000  }
0x14d: {  	s21 =	sld [smem:$0x7F5]  }
0x14e: {  	[sflag:s13] =	ssyncset.done $0x0  }
0x14f: {  	[sflag:s13] =	ssyncadd.s32 $0xFFFFC000  }
0x150: {  	[tilespmem:s5], [sflag:$0x5] =	stream.indirect.gather [hbm4b:s8+s12], $0x20, s21, s12, $0xb8;
	[tilespmem:$0x17400] =	vst v63  }
0x151: {  	_ =	swait.ge [sflag:s3], $0x4000  }
0x152: {  	[sflag:s3] =	ssyncset.done $0x0  }
0x153: {  	s21 =	rddreg [dreg:$0x9];
	[sflag:s3] =	ssyncadd.s32 $0xFFFFC000  }
0x154: {  	[hbm4b:s21+s4] =	stream.strided.scatter [tilespmem:s2], [sflag:$0x6], $0x4000, s6, s4, $0x38;
	[tilespmem:$0x17400] =	vst v63  }
0x155: {  	_ =	swait.ge [sflag:s7], $0x4000  }
0x156: {  	s21 =	sld [smem:$0x7F6]  }
0x157: {  	[sflag:s7] =	ssyncset.done $0x0  }
0x158: {  	[sflag:s7] =	ssyncadd.s32 $0xFFFFC000  }
0x159: {  	[tilespmem:s2], [sflag:$0x1] =	stream.indirect.gather [hbm4b:s8+s12], $0x20, s21, s12, $0xb8;
	[tilespmem:$0x17400] =	vst v63  }
0x15a: {  	_ =	swait.ge [sflag:s20], $0x4000  }
0x15b: {  	[sflag:s20] =	ssyncset.done $0x0  }
0x15c: {  	s21 =	rddreg [dreg:$0xa];
	[sflag:s20] =	ssyncadd.s32 $0xFFFFC000  }
0x15d: {  	[hbm4b:s21+s4] =	stream.strided.scatter [tilespmem:s11], [sflag:$0x7], $0x4000, s6, s4, $0x38;
	[tilespmem:$0x17400] =	vst v63  }
0x15e: {  	_ =	swait.ge [sflag:s19], $0x4000  }
0x15f: {  	s21 =	sld [smem:$0x7F7]  }
0x160: {  	[sflag:s19] =	ssyncset.done $0x0  }
0x161: {  	[sflag:s19] =	ssyncadd.s32 $0xFFFFC000  }
0x162: {  	[tilespmem:s11], [sflag:$0x2] =	stream.indirect.gather [hbm4b:s8+s12], $0x20, s21, s12, $0xb8;
	[tilespmem:$0x17400] =	vst v63  }
0x163: {  	_ =	swait.ge [sflag:s18], $0x4000  }
0x164: {  	[sflag:s18] =	ssyncset.done $0x0  }
0x165: {  	s21 =	rddreg [dreg:$0xb];
	[sflag:s18] =	ssyncadd.s32 $0xFFFFC000  }
0x166: {  	[hbm4b:s21+s4] =	stream.strided.scatter [tilespmem:s10], [sflag:$0x8], $0x4000, s6, s4, $0x38;
	[tilespmem:$0x17400] =	vst v63  }
0x167: {  	_ =	swait.ge [sflag:s17], $0x4000  }
0x168: {  	s21 =	sld [smem:$0x7F8]  }
0x169: {  	[sflag:s17] =	ssyncset.done $0x0  }
0x16a: {  	[sflag:s17] =	ssyncadd.s32 $0xFFFFC000  }
0x16b: {  	[tilespmem:s10], [sflag:$0x3] =	stream.indirect.gather [hbm4b:s8+s12], $0x20, s21, s12, $0xb8;
	[tilespmem:$0x17400] =	vst v63  }
0x16c: {  	_ =	swait.ge [sflag:s16], $0x4000  }
0x16d: {  	[sflag:s16] =	ssyncset.done $0x0  }
0x16e: {  	s21 =	rddreg [dreg:$0xc];
	[sflag:s16] =	ssyncadd.s32 $0xFFFFC000  }
0x16f: {  	[hbm4b:s21+s4] =	stream.strided.scatter [tilespmem:s9], [sflag:$0x9], $0x4000, s6, s4, $0x38;
	[tilespmem:$0x17400] =	vst v63  }
0x170: {  	_ =	swait.ge [sflag:s15], $0x4000  }
0x171: {  	s21 =	sld [smem:$0x7F9]  }
0x172: {  	[sflag:s15] =	ssyncset.done $0x0  }
0x173: {  	[sflag:s15] =	ssyncadd.s32 $0xFFFFC000  }
0x174: {  	[tilespmem:s9], [sflag:$0x4] =	stream.indirect.gather [hbm4b:s8+s12], $0x20, s21, s12, $0xb8;
	[tilespmem:$0x17400] =	vst v63  }
0x175: {  	_ =	swait.ge [sflag:s14], $0x4000  }
0x176: {  	[sflag:s14] =	ssyncset.done $0x0  }
0x177: {  	s21 =	rddreg [dreg:$0xd];
	[sflag:s14] =	ssyncadd.s32 $0xFFFFC000  }
0x178: {  	[hbm4b:s21+s4] =	stream.strided.scatter [tilespmem:s5], [sflag:$0xA], $0x4000, s6, s4, $0x38;
	[tilespmem:$0x17400] =	vst v63  }
0x179: {  	_ =	swait.ge [sflag:s13], $0x4000  }
0x17a: {  	s21 =	sld [smem:$0x7FA]  }
0x17b: {  	[sflag:s13] =	ssyncset.done $0x0  }
0x17c: {  	[sflag:s13] =	ssyncadd.s32 $0xFFFFC000  }
0x17d: {  	[tilespmem:s5], [sflag:$0x5] =	stream.indirect.gather [hbm4b:s8+s12], $0x20, s21, s12, $0xb8;
	[tilespmem:$0x17400] =	vst v63  }
0x17e: {  	_ =	swait.ge [sflag:s3], $0x4000  }
0x17f: {  	[sflag:s3] =	ssyncset.done $0x0  }
0x180: {  	s21 =	rddreg [dreg:$0xe];
	[sflag:s3] =	ssyncadd.s32 $0xFFFFC000  }
0x181: {  	[hbm4b:s21+s4] =	stream.strided.scatter [tilespmem:s2], [sflag:$0x6], $0x4000, s6, s4, $0x38;
	[tilespmem:$0x17400] =	vst v63  }
0x182: {  	_ =	swait.ge [sflag:s7], $0x4000  }
0x183: {  	s21 =	sld [smem:$0x7FB]  }
0x184: {  	[sflag:s7] =	ssyncset.done $0x0  }
0x185: {  	[sflag:s7] =	ssyncadd.s32 $0xFFFFC000  }
0x186: {  	[tilespmem:s2], [sflag:$0x1] =	stream.indirect.gather [hbm4b:s8+s12], $0x20, s21, s12, $0xb8;
	[tilespmem:$0x17400] =	vst v63  }
0x187: {  	_ =	swait.ge [sflag:s20], $0x4000  }
0x188: {  	[sflag:s20] =	ssyncset.done $0x0  }
0x189: {  	s21 =	rddreg [dreg:$0xf];
	[sflag:s20] =	ssyncadd.s32 $0xFFFFC000  }
0x18a: {  	[hbm4b:s21+s4] =	stream.strided.scatter [tilespmem:s11], [sflag:$0x7], $0x4000, s6, s4, $0x38;
	[tilespmem:$0x17400] =	vst v63  }
0x18b: {  	_ =	swait.ge [sflag:s19], $0x4000  }
0x18c: {  	s21 =	sld [smem:$0x7FC]  }
0x18d: {  	[sflag:s19] =	ssyncset.done $0x0  }
0x18e: {  	[sflag:s19] =	ssyncadd.s32 $0xFFFFC000  }
0x18f: {  	[tilespmem:s11], [sflag:$0x2] =	stream.indirect.gather [hbm4b:s8+s12], $0x20, s21, s12, $0xb8;
	[tilespmem:$0x17400] =	vst v63  }
0x190: {  	_ =	swait.ge [sflag:s18], $0x4000  }
0x191: {  	[sflag:s18] =	ssyncset.done $0x0  }
0x192: {  	s21 =	rddreg [dreg:$0x10];
	[sflag:s18] =	ssyncadd.s32 $0xFFFFC000  }
0x193: {  	[hbm4b:s21+s4] =	stream.strided.scatter [tilespmem:s10], [sflag:$0x8], $0x4000, s6, s4, $0x38;
	[tilespmem:$0x17400] =	vst v63  }
0x194: {  	_ =	swait.ge [sflag:s17], $0x4000  }
0x195: {  	s21 =	sld [smem:$0x7FD]  }
0x196: {  	[sflag:s17] =	ssyncset.done $0x0  }
0x197: {  	[sflag:s17] =	ssyncadd.s32 $0xFFFFC000  }
0x198: {  	[tilespmem:s10], [sflag:$0x3] =	stream.indirect.gather [hbm4b:s8+s12], $0x20, s21, s12, $0xb8;
	[tilespmem:$0x17400] =	vst v63  }
0x199: {  	_ =	swait.ge [sflag:s16], $0x4000  }
0x19a: {  	[sflag:s16] =	ssyncset.done $0x0  }
0x19b: {  	s21 =	rddreg [dreg:$0x11];
	[sflag:s16] =	ssyncadd.s32 $0xFFFFC000  }
0x19c: {  	[hbm4b:s21+s4] =	stream.strided.scatter [tilespmem:s9], [sflag:$0x9], $0x4000, s6, s4, $0x38;
	[tilespmem:$0x17400] =	vst v63  }
0x19d: {  	_ =	swait.ge [sflag:s15], $0x4000  }
0x19e: {  	[sflag:s15] =	ssyncset.done $0x0  }
0x19f: {  	s21 =	simm.s32 $0x2400;
	[sflag:s15] =	ssyncadd.s32 $0xFFFFC000  }
0x1a0: {  	[tilespmem:s9], [sflag:$0x4] =	stream.indirect.gather [hbm4b:s8+s12], $0x20, s21, s12, $0xb8;
	[tilespmem:$0x17400] =	vst v63  }
0x1a1: {  	_ =	swait.ge [sflag:s14], $0x4000  }
0x1a2: {  	[sflag:s14] =	ssyncset.done $0x0  }
0x1a3: {  	s21 =	rddreg [dreg:$0x12];
	[sflag:s14] =	ssyncadd.s32 $0xFFFFC000  }
0x1a4: {  	[hbm4b:s21+s4] =	stream.strided.scatter [tilespmem:s5], [sflag:$0xA], $0x4000, s6, s4, $0x38;
	[tilespmem:$0x17400] =	vst v63  }
0x1a5: {  	_ =	swait.ge [sflag:s13], $0x4000  }
0x1a6: {  	[sflag:s13] =	ssyncset.done $0x0  }
0x1a7: {  	[sflag:s13] =	ssyncadd.s32 $0xFFFFC000  }
0x1a8: {  	[tilespmem:s5], [sflag:$0x5] =	stream.indirect.gather [hbm4b:s8+s12], $0x20, s29, s12, $0xb8;
	[tilespmem:$0x17400] =	vst v63  }
0x1a9: {  	_ =	swait.ge [sflag:s3], $0x4000  }
0x1aa: {  	[sflag:s3] =	ssyncset.done $0x0  }
0x1ab: {  	s21 =	rddreg [dreg:$0x13];
	[sflag:s3] =	ssyncadd.s32 $0xFFFFC000  }
0x1ac: {  	[hbm4b:s21+s4] =	stream.strided.scatter [tilespmem:s2], [sflag:$0x6], $0x4000, s6, s4, $0x38;
	[tilespmem:$0x17400] =	vst v63  }
0x1ad: {  	_ =	swait.ge [sflag:s7], $0x4000  }
0x1ae: {  	[sflag:s7] =	ssyncset.done $0x0  }
0x1af: {  	[sflag:s7] =	ssyncadd.s32 $0xFFFFC000  }
0x1b0: {  	[tilespmem:s2], [sflag:$0x1] =	stream.indirect.gather [hbm4b:s8+s12], $0x20, s28, s12, $0xb8;
	[tilespmem:$0x17400] =	vst v63  }
0x1b1: {  	_ =	swait.ge [sflag:s20], $0x4000  }
0x1b2: {  	[sflag:s20] =	ssyncset.done $0x0  }
0x1b3: {  	s21 =	rddreg [dreg:$0x14];
	[sflag:s20] =	ssyncadd.s32 $0xFFFFC000  }
0x1b4: {  	[hbm4b:s21+s4] =	stream.strided.scatter [tilespmem:s11], [sflag:$0x7], $0x4000, s6, s4, $0x38;
	[tilespmem:$0x17400] =	vst v63  }
0x1b5: {  	_ =	swait.ge [sflag:s19], $0x4000  }
0x1b6: {  	[sflag:s19] =	ssyncset.done $0x0  }
0x1b7: {  	[sflag:s19] =	ssyncadd.s32 $0xFFFFC000  }
0x1b8: {  	[tilespmem:s11], [sflag:$0x2] =	stream.indirect.gather [hbm4b:s8+s12], $0x20, s26, s12, $0xb8;
	[tilespmem:$0x17400] =	vst v63  }
0x1b9: {  	_ =	swait.ge [sflag:s18], $0x4000  }
0x1ba: {  	[sflag:s18] =	ssyncset.done $0x0  }
0x1bb: {  	s21 =	rddreg [dreg:$0x15];
	[sflag:s18] =	ssyncadd.s32 $0xFFFFC000  }
0x1bc: {  	[hbm4b:s21+s4] =	stream.strided.scatter [tilespmem:s10], [sflag:$0x8], $0x4000, s6, s4, $0x38;
	[tilespmem:$0x17400] =	vst v63  }
0x1bd: {  	_ =	swait.ge [sflag:s17], $0x4000  }
0x1be: {  	[sflag:s17] =	ssyncset.done $0x0  }
0x1bf: {  	[sflag:s17] =	ssyncadd.s32 $0xFFFFC000  }
0x1c0: {  	[tilespmem:s10], [sflag:$0x3] =	stream.indirect.gather [hbm4b:s8+s12], $0x20, s25, s12, $0xb8;
	[tilespmem:$0x17400] =	vst v63  }
0x1c1: {  	_ =	swait.ge [sflag:s16], $0x4000  }
0x1c2: {  	[sflag:s16] =	ssyncset.done $0x0  }
0x1c3: {  	s21 =	rddreg [dreg:$0x16];
	[sflag:s16] =	ssyncadd.s32 $0xFFFFC000  }
0x1c4: {  	[hbm4b:s21+s4] =	stream.strided.scatter [tilespmem:s9], [sflag:$0x9], $0x4000, s6, s4, $0x38;
	[tilespmem:$0x17400] =	vst v63  }
0x1c5: {  	_ =	swait.ge [sflag:s15], $0x4000  }
0x1c6: {  	[sflag:s15] =	ssyncset.done $0x0  }
0x1c7: {  	[sflag:s15] =	ssyncadd.s32 $0xFFFFC000  }
0x1c8: {  	[tilespmem:s9], [sflag:$0x4] =	stream.indirect.gather [hbm4b:s8+s12], $0x20, s24, s12, $0xb8;
	[tilespmem:$0x17400] =	vst v63  }
0x1c9: {  	_ =	swait.ge [sflag:s14], $0x4000  }
0x1ca: {  	[sflag:s14] =	ssyncset.done $0x0  }
0x1cb: {  	s21 =	rddreg [dreg:$0x17];
	[sflag:s14] =	ssyncadd.s32 $0xFFFFC000  }
0x1cc: {  	[hbm4b:s21+s4] =	stream.strided.scatter [tilespmem:s5], [sflag:$0xA], $0x4000, s6, s4, $0x38;
	[tilespmem:$0x17400] =	vst v63  }
0x1cd: {  	_ =	swait.ge [sflag:s13], $0x4000  }
0x1ce: {  	[sflag:s13] =	ssyncset.done $0x0  }
0x1cf: {  	[sflag:s13] =	ssyncadd.s32 $0xFFFFC000  }
0x1d0: {  	[tilespmem:s5], [sflag:$0x5] =	stream.indirect.gather [hbm4b:s8+s12], $0x20, s23, s12, $0xb8;
	[tilespmem:$0x17400] =	vst v63  }
0x1d1: {  	_ =	swait.ge [sflag:s3], $0x4000  }
0x1d2: {  	[sflag:s3] =	ssyncset.done $0x0  }
0x1d3: {  	s21 =	rddreg [dreg:$0x18];
	[sflag:s3] =	ssyncadd.s32 $0xFFFFC000  }
0x1d4: {  	[hbm4b:s21+s4] =	stream.strided.scatter [tilespmem:s2], [sflag:$0x6], $0x4000, s6, s4, $0x38;
	[tilespmem:$0x17400] =	vst v63  }
0x1d5: {  	_ =	swait.ge [sflag:s7], $0x4000  }
0x1d6: {  	[sflag:s7] =	ssyncset.done $0x0  }
0x1d7: {  	[sflag:s7] =	ssyncadd.s32 $0xFFFFC000  }
0x1d8: {  	[tilespmem:s2], [sflag:$0x1] =	stream.indirect.gather [hbm4b:s8+s12], $0x20, s22, s12, $0xb8;
	[tilespmem:$0x17400] =	vst v63  }
0x1d9: {  	_ =	swait.ge [sflag:s20], $0x4000  }
0x1da: {  	[sflag:s20] =	ssyncset.done $0x0  }
0x1db: {  	s21 =	rddreg [dreg:$0x19];
	[sflag:s20] =	ssyncadd.s32 $0xFFFFC000  }
0x1dc: {  	[hbm4b:s21+s4] =	stream.strided.scatter [tilespmem:s11], [sflag:$0x7], $0x4000, s6, s4, $0x38;
	[tilespmem:$0x17400] =	vst v63  }
0x1dd: {  	_ =	swait.ge [sflag:s19], $0x4000  }
0x1de: {  	[sflag:s19] =	ssyncset.done $0x0  }
0x1df: {  	[sflag:s19] =	ssyncadd.s32 $0xFFFFC000  }
0x1e0: {  	_ =	swait.ge [sflag:s18], $0x4000  }
0x1e1: {  	[sflag:s18] =	ssyncset.done $0x0  }
0x1e2: {  	s21 =	rddreg [dreg:$0x1a];
	[sflag:s18] =	ssyncadd.s32 $0xFFFFC000  }
0x1e3: {  	[hbm4b:s21+s4] =	stream.strided.scatter [tilespmem:s10], [sflag:$0x8], $0x4000, s6, s4, $0x38;
	[tilespmem:$0x17400] =	vst v63  }
0x1e4: {  	_ =	swait.ge [sflag:s17], $0x4000  }
0x1e5: {  	[sflag:s17] =	ssyncset.done $0x0  }
0x1e6: {  	[sflag:s17] =	ssyncadd.s32 $0xFFFFC000  }
0x1e7: {  	_ =	swait.ge [sflag:s16], $0x4000  }
0x1e8: {  	[sflag:s16] =	ssyncset.done $0x0  }
0x1e9: {  	s21 =	rddreg [dreg:$0x1b];
	[sflag:s16] =	ssyncadd.s32 $0xFFFFC000  }
0x1ea: {  	[hbm4b:s21+s4] =	stream.strided.scatter [tilespmem:s9], [sflag:$0x9], $0x4000, s6, s4, $0x38;
	[tilespmem:$0x17400] =	vst v63  }
0x1eb: {  	_ =	swait.ge [sflag:s15], $0x4000  }
0x1ec: {  	[sflag:s15] =	ssyncset.done $0x0  }
0x1ed: {  	[sflag:s15] =	ssyncadd.s32 $0xFFFFC000  }
0x1ee: {  	_ =	swait.ge [sflag:s14], $0x4000  }
0x1ef: {  	[sflag:s14] =	ssyncset.done $0x0  }
0x1f0: {  	s21 =	rddreg [dreg:$0x1c];
	[sflag:s14] =	ssyncadd.s32 $0xFFFFC000  }
0x1f1: {  	[hbm4b:s21+s4] =	stream.strided.scatter [tilespmem:s5], [sflag:$0xA], $0x4000, s6, s4, $0x38;
	[tilespmem:$0x17400] =	vst v63  }
0x1f2: {  	_ =	swait.ge [sflag:s13], $0x4000  }
0x1f3: {  	[sflag:s13] =	ssyncset.done $0x0  }
0x1f4: {  	[sflag:s13] =	ssyncadd.s32 $0xFFFFC000  }
0x1f5: {  	p1 =	sne.s32 s1, $0x1;
	_ =	swait.ge [sflag:s3], $0x4000  }
.Ltmp2:
0x1f6: {  	[sflag:s3] =	ssyncset.done $0x0;
	(pc) =	sbr.rel @p1 .LBB2_4-.Ltmp2, $4  }
0x1f7: {  	s21 =	rddreg [dreg:$0x1d];
	[sflag:s3] =	ssyncadd.s32 $0xFFFFC000  }
0x1f8: {  	[hbm4b:s21+s4] =	stream.strided.scatter [tilespmem:s2], [sflag:$0x6], $0x4000, s6, s4, $0x38;
	[tilespmem:$0x17400] =	vst v63  }
0x1f9: {  	_ =	swait.ge [sflag:s7], $0x4000  }
0x1fa: {  	s1 =	sadd.s32 $0xFFFFFFFF, s1;
	s0 =	rddreg [dreg:$0x3];
	[sflag:s7] =	ssyncset.done $0x0  }
0x1fb: {  	s22 =	simm.s32 $0x2400;
	s29 =	simm.s32 $0x2600  }
0x1fc: {  	s28 =	simm.s32 $0x2800;
	s26 =	simm.s32 $0x2A00;
	s25 =	simm.s32 $0x2C00  }
0x1fd: {  	s24 =	simm.s32 $0x2E00;
	s23 =	simm.s32 $0x3000;
	s21 =	stileid.u32  }
.LBB2_6:
0x1fe: {  	[sflag:s7] =	ssyncadd.s32 @p0 $0xFFFFC000  }
0x1ff: {  	[tilespmem:s30], [sflag:$0xB] =	stream.linear.gather [hbm4b:s0+s30], $0x3400, $0x38;
	[tilespmem:$0x17400] =	vst v63  }
0x200: {  	_ =	swait.ge [sflag:s31], $0x3400  }
0x201: {  	[sflag:s31] =	ssyncset.done $0x0  }
0x202: {  	[sflag:s31] =	ssyncadd.s32 $0xFFFFCC00  }
0x203: {  	[tilespmem:s2], [sflag:$0x1] =	stream.indirect.gather [hbm4b:s8+s12], $0x20, s30, s12, $0xb8;
	[tilespmem:$0x17400] =	vst v63  }
0x204: {  	s1 =	rddreg [dreg:$0x1f]  }
0x205: {  	[tilespmem:s11], [sflag:$0x2] =	stream.indirect.gather [hbm4b:s8+s12], $0x20, s12, s12, $0xb8;
	[tilespmem:$0x17400] =	vst v63  }
0x206: {  	s31 =	rddreg [dreg:$0x1e]  }
0x207: {  	[tilespmem:s10], [sflag:$0x3] =	stream.indirect.gather [hbm4b:s8+s12], $0x20, s31, s12, $0xb8;
	[tilespmem:$0x17400] =	vst v63  }
0x208: {  	s30 =	sld [smem:$0x7F1]  }
0x209: {  	[tilespmem:s9], [sflag:$0x4] =	stream.indirect.gather [hbm4b:s8+s12], $0x20, s1, s12, $0xb8;
	[tilespmem:$0x17400] =	vst v63  }
0x20a: {  	_ = 	snop  }
0x20b: {  	[tilespmem:s5], [sflag:$0x5] =	stream.indirect.gather [hbm4b:s8+s12], $0x20, s30, s12, $0xb8;
	[tilespmem:$0x17400] =	vst v63  }
0x20c: {  	_ =	swait.ge [sflag:s3], $0x4000  }
0x20d: {  	[sflag:s3] =	ssyncset.done $0x0  }
0x20e: {  	s31 =	rddreg [dreg:$0x4];
	[sflag:s3] =	ssyncadd.s32 $0xFFFFC000  }
0x20f: {  	[hbm4b:s31+s4] =	stream.strided.scatter [tilespmem:s2], [sflag:$0x6], $0x4000, s6, s4, $0x38;
	[tilespmem:$0x17400] =	vst v63  }
0x210: {  	_ =	swait.ge [sflag:s7], $0x4000  }
0x211: {  	s1 =	sld [smem:$0x7F2]  }
0x212: {  	[sflag:s7] =	ssyncset.done $0x0  }
0x213: {  	[sflag:s7] =	ssyncadd.s32 $0xFFFFC000  }
0x214: {  	[tilespmem:s2], [sflag:$0x1] =	stream.indirect.gather [hbm4b:s8+s12], $0x20, s1, s12, $0xb8;
	[tilespmem:$0x17400] =	vst v63  }
0x215: {  	_ =	swait.ge [sflag:s20], $0x4000  }
0x216: {  	[sflag:s20] =	ssyncset.done $0x0  }
0x217: {  	s30 =	rddreg [dreg:$0x5];
	[sflag:s20] =	ssyncadd.s32 $0xFFFFC000  }
0x218: {  	[hbm4b:s30+s4] =	stream.strided.scatter [tilespmem:s11], [sflag:$0x7], $0x4000, s6, s4, $0x38;
	[tilespmem:$0x17400] =	vst v63  }
0x219: {  	_ =	swait.ge [sflag:s19], $0x4000  }
0x21a: {  	s31 =	sld [smem:$0x7F3]  }
0x21b: {  	[sflag:s19] =	ssyncset.done $0x0  }
0x21c: {  	[sflag:s19] =	ssyncadd.s32 $0xFFFFC000  }
0x21d: {  	[tilespmem:s11], [sflag:$0x2] =	stream.indirect.gather [hbm4b:s8+s12], $0x20, s31, s12, $0xb8;
	[tilespmem:$0x17400] =	vst v63  }
0x21e: {  	_ =	swait.ge [sflag:s18], $0x4000  }
0x21f: {  	[sflag:s18] =	ssyncset.done $0x0  }
0x220: {  	s1 =	rddreg [dreg:$0x6];
	[sflag:s18] =	ssyncadd.s32 $0xFFFFC000  }
0x221: {  	[hbm4b:s1+s4] =	stream.strided.scatter [tilespmem:s10], [sflag:$0x8], $0x4000, s6, s4, $0x38;
	[tilespmem:$0x17400] =	vst v63  }
0x222: {  	_ =	swait.ge [sflag:s17], $0x4000  }
0x223: {  	s30 =	sld [smem:$0x7F4]  }
0x224: {  	[sflag:s17] =	ssyncset.done $0x0  }
0x225: {  	[sflag:s17] =	ssyncadd.s32 $0xFFFFC000  }
0x226: {  	[tilespmem:s10], [sflag:$0x3] =	stream.indirect.gather [hbm4b:s8+s12], $0x20, s30, s12, $0xb8;
	[tilespmem:$0x17400] =	vst v63  }
0x227: {  	_ =	swait.ge [sflag:s16], $0x4000  }
0x228: {  	[sflag:s16] =	ssyncset.done $0x0  }
0x229: {  	s31 =	rddreg [dreg:$0x7];
	[sflag:s16] =	ssyncadd.s32 $0xFFFFC000  }
0x22a: {  	[hbm4b:s31+s4] =	stream.strided.scatter [tilespmem:s9], [sflag:$0x9], $0x4000, s6, s4, $0x38;
	[tilespmem:$0x17400] =	vst v63  }
0x22b: {  	_ =	swait.ge [sflag:s15], $0x4000  }
0x22c: {  	[sflag:s15] =	ssyncset.done $0x0  }
0x22d: {  	[sflag:s15] =	ssyncadd.s32 $0xFFFFC000  }
0x22e: {  	[tilespmem:s9], [sflag:$0x4] =	stream.indirect.gather [hbm4b:s8+s12], $0x20, s6, s12, $0xb8;
	[tilespmem:$0x17400] =	vst v63  }
0x22f: {  	_ =	swait.ge [sflag:s14], $0x4000  }
0x230: {  	[sflag:s14] =	ssyncset.done $0x0  }
0x231: {  	s1 =	rddreg [dreg:$0x8];
	[sflag:s14] =	ssyncadd.s32 $0xFFFFC000  }
0x232: {  	[hbm4b:s1+s4] =	stream.strided.scatter [tilespmem:s5], [sflag:$0xA], $0x4000, s6, s4, $0x38;
	[tilespmem:$0x17400] =	vst v63  }
0x233: {  	_ =	swait.ge [sflag:s13], $0x4000  }
0x234: {  	s30 =	sld [smem:$0x7F5]  }
0x235: {  	[sflag:s13] =	ssyncset.done $0x0  }
0x236: {  	[sflag:s13] =	ssyncadd.s32 $0xFFFFC000  }
0x237: {  	[tilespmem:s5], [sflag:$0x5] =	stream.indirect.gather [hbm4b:s8+s12], $0x20, s30, s12, $0xb8;
	[tilespmem:$0x17400] =	vst v63  }
0x238: {  	_ =	swait.ge [sflag:s3], $0x4000  }
0x239: {  	[sflag:s3] =	ssyncset.done $0x0  }
0x23a: {  	s31 =	rddreg [dreg:$0x9];
	[sflag:s3] =	ssyncadd.s32 $0xFFFFC000  }
0x23b: {  	[hbm4b:s31+s4] =	stream.strided.scatter [tilespmem:s2], [sflag:$0x6], $0x4000, s6, s4, $0x38;
	[tilespmem:$0x17400] =	vst v63  }
0x23c: {  	_ =	swait.ge [sflag:s7], $0x4000  }
0x23d: {  	s1 =	sld [smem:$0x7F6]  }
0x23e: {  	[sflag:s7] =	ssyncset.done $0x0  }
0x23f: {  	[sflag:s7] =	ssyncadd.s32 $0xFFFFC000  }
0x240: {  	[tilespmem:s2], [sflag:$0x1] =	stream.indirect.gather [hbm4b:s8+s12], $0x20, s1, s12, $0xb8;
	[tilespmem:$0x17400] =	vst v63  }
0x241: {  	_ =	swait.ge [sflag:s20], $0x4000  }
0x242: {  	[sflag:s20] =	ssyncset.done $0x0  }
0x243: {  	s30 =	rddreg [dreg:$0xa];
	[sflag:s20] =	ssyncadd.s32 $0xFFFFC000  }
0x244: {  	[hbm4b:s30+s4] =	stream.strided.scatter [tilespmem:s11], [sflag:$0x7], $0x4000, s6, s4, $0x38;
	[tilespmem:$0x17400] =	vst v63  }
0x245: {  	_ =	swait.ge [sflag:s19], $0x4000  }
0x246: {  	s31 =	sld [smem:$0x7F7]  }
0x247: {  	[sflag:s19] =	ssyncset.done $0x0  }
0x248: {  	[sflag:s19] =	ssyncadd.s32 $0xFFFFC000  }
0x249: {  	[tilespmem:s11], [sflag:$0x2] =	stream.indirect.gather [hbm4b:s8+s12], $0x20, s31, s12, $0xb8;
	[tilespmem:$0x17400] =	vst v63  }
0x24a: {  	_ =	swait.ge [sflag:s18], $0x4000  }
0x24b: {  	[sflag:s18] =	ssyncset.done $0x0  }
0x24c: {  	s1 =	rddreg [dreg:$0xb];
	[sflag:s18] =	ssyncadd.s32 $0xFFFFC000  }
0x24d: {  	[hbm4b:s1+s4] =	stream.strided.scatter [tilespmem:s10], [sflag:$0x8], $0x4000, s6, s4, $0x38;
	[tilespmem:$0x17400] =	vst v63  }
0x24e: {  	_ =	swait.ge [sflag:s17], $0x4000  }
0x24f: {  	s30 =	sld [smem:$0x7F8]  }
0x250: {  	[sflag:s17] =	ssyncset.done $0x0  }
0x251: {  	[sflag:s17] =	ssyncadd.s32 $0xFFFFC000  }
0x252: {  	[tilespmem:s10], [sflag:$0x3] =	stream.indirect.gather [hbm4b:s8+s12], $0x20, s30, s12, $0xb8;
	[tilespmem:$0x17400] =	vst v63  }
0x253: {  	_ =	swait.ge [sflag:s16], $0x4000  }
0x254: {  	[sflag:s16] =	ssyncset.done $0x0  }
0x255: {  	s31 =	rddreg [dreg:$0xc];
	[sflag:s16] =	ssyncadd.s32 $0xFFFFC000  }
0x256: {  	[hbm4b:s31+s4] =	stream.strided.scatter [tilespmem:s9], [sflag:$0x9], $0x4000, s6, s4, $0x38;
	[tilespmem:$0x17400] =	vst v63  }
0x257: {  	_ =	swait.ge [sflag:s15], $0x4000  }
0x258: {  	s1 =	sld [smem:$0x7F9]  }
0x259: {  	[sflag:s15] =	ssyncset.done $0x0  }
0x25a: {  	[sflag:s15] =	ssyncadd.s32 $0xFFFFC000  }
0x25b: {  	[tilespmem:s9], [sflag:$0x4] =	stream.indirect.gather [hbm4b:s8+s12], $0x20, s1, s12, $0xb8;
	[tilespmem:$0x17400] =	vst v63  }
0x25c: {  	_ =	swait.ge [sflag:s14], $0x4000  }
0x25d: {  	[sflag:s14] =	ssyncset.done $0x0  }
0x25e: {  	s30 =	rddreg [dreg:$0xd];
	[sflag:s14] =	ssyncadd.s32 $0xFFFFC000  }
0x25f: {  	[hbm4b:s30+s4] =	stream.strided.scatter [tilespmem:s5], [sflag:$0xA], $0x4000, s6, s4, $0x38;
	[tilespmem:$0x17400] =	vst v63  }
0x260: {  	_ =	swait.ge [sflag:s13], $0x4000  }
0x261: {  	s31 =	sld [smem:$0x7FA]  }
0x262: {  	[sflag:s13] =	ssyncset.done $0x0  }
0x263: {  	[sflag:s13] =	ssyncadd.s32 $0xFFFFC000  }
0x264: {  	[tilespmem:s5], [sflag:$0x5] =	stream.indirect.gather [hbm4b:s8+s12], $0x20, s31, s12, $0xb8;
	[tilespmem:$0x17400] =	vst v63  }
0x265: {  	_ =	swait.ge [sflag:s3], $0x4000  }
0x266: {  	[sflag:s3] =	ssyncset.done $0x0  }
0x267: {  	s1 =	rddreg [dreg:$0xe];
	[sflag:s3] =	ssyncadd.s32 $0xFFFFC000  }
0x268: {  	[hbm4b:s1+s4] =	stream.strided.scatter [tilespmem:s2], [sflag:$0x6], $0x4000, s6, s4, $0x38;
	[tilespmem:$0x17400] =	vst v63  }
0x269: {  	_ =	swait.ge [sflag:s7], $0x4000  }
0x26a: {  	s30 =	sld [smem:$0x7FB]  }
0x26b: {  	[sflag:s7] =	ssyncset.done $0x0  }
0x26c: {  	[sflag:s7] =	ssyncadd.s32 $0xFFFFC000  }
0x26d: {  	[tilespmem:s2], [sflag:$0x1] =	stream.indirect.gather [hbm4b:s8+s12], $0x20, s30, s12, $0xb8;
	[tilespmem:$0x17400] =	vst v63  }
0x26e: {  	_ =	swait.ge [sflag:s20], $0x4000  }
0x26f: {  	[sflag:s20] =	ssyncset.done $0x0  }
0x270: {  	s31 =	rddreg [dreg:$0xf];
	[sflag:s20] =	ssyncadd.s32 $0xFFFFC000  }
0x271: {  	[hbm4b:s31+s4] =	stream.strided.scatter [tilespmem:s11], [sflag:$0x7], $0x4000, s6, s4, $0x38;
	[tilespmem:$0x17400] =	vst v63  }
0x272: {  	_ =	swait.ge [sflag:s19], $0x4000  }
0x273: {  	s1 =	sld [smem:$0x7FC]  }
0x274: {  	[sflag:s19] =	ssyncset.done $0x0  }
0x275: {  	[sflag:s19] =	ssyncadd.s32 $0xFFFFC000  }
0x276: {  	[tilespmem:s11], [sflag:$0x2] =	stream.indirect.gather [hbm4b:s8+s12], $0x20, s1, s12, $0xb8;
	[tilespmem:$0x17400] =	vst v63  }
0x277: {  	_ =	swait.ge [sflag:s18], $0x4000  }
0x278: {  	[sflag:s18] =	ssyncset.done $0x0  }
0x279: {  	s30 =	rddreg [dreg:$0x10];
	[sflag:s18] =	ssyncadd.s32 $0xFFFFC000  }
0x27a: {  	[hbm4b:s30+s4] =	stream.strided.scatter [tilespmem:s10], [sflag:$0x8], $0x4000, s6, s4, $0x38;
	[tilespmem:$0x17400] =	vst v63  }
0x27b: {  	_ =	swait.ge [sflag:s17], $0x4000  }
0x27c: {  	s31 =	sld [smem:$0x7FD]  }
0x27d: {  	[sflag:s17] =	ssyncset.done $0x0  }
0x27e: {  	[sflag:s17] =	ssyncadd.s32 $0xFFFFC000  }
0x27f: {  	[tilespmem:s10], [sflag:$0x3] =	stream.indirect.gather [hbm4b:s8+s12], $0x20, s31, s12, $0xb8;
	[tilespmem:$0x17400] =	vst v63  }
0x280: {  	_ =	swait.ge [sflag:s16], $0x4000  }
0x281: {  	[sflag:s16] =	ssyncset.done $0x0  }
0x282: {  	s1 =	rddreg [dreg:$0x11];
	[sflag:s16] =	ssyncadd.s32 $0xFFFFC000  }
0x283: {  	[hbm4b:s1+s4] =	stream.strided.scatter [tilespmem:s9], [sflag:$0x9], $0x4000, s6, s4, $0x38;
	[tilespmem:$0x17400] =	vst v63  }
0x284: {  	_ =	swait.ge [sflag:s15], $0x4000  }
0x285: {  	[sflag:s15] =	ssyncset.done $0x0  }
0x286: {  	[sflag:s15] =	ssyncadd.s32 $0xFFFFC000  }
0x287: {  	[tilespmem:s9], [sflag:$0x4] =	stream.indirect.gather [hbm4b:s8+s12], $0x20, s22, s12, $0xb8;
	[tilespmem:$0x17400] =	vst v63  }
0x288: {  	_ =	swait.ge [sflag:s14], $0x4000  }
0x289: {  	[sflag:s14] =	ssyncset.done $0x0  }
0x28a: {  	s22 =	rddreg [dreg:$0x12];
	[sflag:s14] =	ssyncadd.s32 $0xFFFFC000  }
0x28b: {  	[hbm4b:s22+s4] =	stream.strided.scatter [tilespmem:s5], [sflag:$0xA], $0x4000, s6, s4, $0x38;
	[tilespmem:$0x17400] =	vst v63  }
0x28c: {  	_ =	swait.ge [sflag:s13], $0x4000  }
0x28d: {  	[sflag:s13] =	ssyncset.done $0x0  }
0x28e: {  	[sflag:s13] =	ssyncadd.s32 $0xFFFFC000  }
0x28f: {  	[tilespmem:s5], [sflag:$0x5] =	stream.indirect.gather [hbm4b:s8+s12], $0x20, s29, s12, $0xb8;
	[tilespmem:$0x17400] =	vst v63  }
0x290: {  	_ =	swait.ge [sflag:s3], $0x4000  }
0x291: {  	[sflag:s3] =	ssyncset.done $0x0  }
0x292: {  	s29 =	rddreg [dreg:$0x13];
	[sflag:s3] =	ssyncadd.s32 $0xFFFFC000  }
0x293: {  	[hbm4b:s29+s4] =	stream.strided.scatter [tilespmem:s2], [sflag:$0x6], $0x4000, s6, s4, $0x38;
	[tilespmem:$0x17400] =	vst v63  }
0x294: {  	_ =	swait.ge [sflag:s7], $0x4000  }
0x295: {  	[sflag:s7] =	ssyncset.done $0x0  }
0x296: {  	[sflag:s7] =	ssyncadd.s32 $0xFFFFC000  }
0x297: {  	[tilespmem:s2], [sflag:$0x1] =	stream.indirect.gather [hbm4b:s8+s12], $0x20, s28, s12, $0xb8;
	[tilespmem:$0x17400] =	vst v63  }
0x298: {  	_ =	swait.ge [sflag:s20], $0x4000  }
0x299: {  	[sflag:s20] =	ssyncset.done $0x0  }
0x29a: {  	s30 =	rddreg [dreg:$0x14];
	[sflag:s20] =	ssyncadd.s32 $0xFFFFC000  }
0x29b: {  	[hbm4b:s30+s4] =	stream.strided.scatter [tilespmem:s11], [sflag:$0x7], $0x4000, s6, s4, $0x38;
	[tilespmem:$0x17400] =	vst v63  }
0x29c: {  	_ =	swait.ge [sflag:s19], $0x4000  }
0x29d: {  	[sflag:s19] =	ssyncset.done $0x0  }
0x29e: {  	[sflag:s19] =	ssyncadd.s32 $0xFFFFC000  }
0x29f: {  	[tilespmem:s11], [sflag:$0x2] =	stream.indirect.gather [hbm4b:s8+s12], $0x20, s26, s12, $0xb8;
	[tilespmem:$0x17400] =	vst v63  }
0x2a0: {  	_ =	swait.ge [sflag:s18], $0x4000  }
0x2a1: {  	[sflag:s18] =	ssyncset.done $0x0  }
0x2a2: {  	s31 =	rddreg [dreg:$0x15];
	[sflag:s18] =	ssyncadd.s32 $0xFFFFC000  }
0x2a3: {  	[hbm4b:s31+s4] =	stream.strided.scatter [tilespmem:s10], [sflag:$0x8], $0x4000, s6, s4, $0x38;
	[tilespmem:$0x17400] =	vst v63  }
0x2a4: {  	_ =	swait.ge [sflag:s17], $0x4000  }
0x2a5: {  	[sflag:s17] =	ssyncset.done $0x0  }
0x2a6: {  	[sflag:s17] =	ssyncadd.s32 $0xFFFFC000  }
0x2a7: {  	[tilespmem:s10], [sflag:$0x3] =	stream.indirect.gather [hbm4b:s8+s12], $0x20, s25, s12, $0xb8;
	[tilespmem:$0x17400] =	vst v63  }
0x2a8: {  	_ =	swait.ge [sflag:s16], $0x4000  }
0x2a9: {  	[sflag:s16] =	ssyncset.done $0x0  }
0x2aa: {  	s1 =	rddreg [dreg:$0x16];
	[sflag:s16] =	ssyncadd.s32 $0xFFFFC000  }
0x2ab: {  	[hbm4b:s1+s4] =	stream.strided.scatter [tilespmem:s9], [sflag:$0x9], $0x4000, s6, s4, $0x38;
	[tilespmem:$0x17400] =	vst v63  }
0x2ac: {  	_ =	swait.ge [sflag:s15], $0x4000  }
0x2ad: {  	[sflag:s15] =	ssyncset.done $0x0  }
0x2ae: {  	[sflag:s15] =	ssyncadd.s32 $0xFFFFC000  }
0x2af: {  	[tilespmem:s9], [sflag:$0x4] =	stream.indirect.gather [hbm4b:s8+s12], $0x20, s24, s12, $0xb8;
	[tilespmem:$0x17400] =	vst v63  }
0x2b0: {  	_ =	swait.ge [sflag:s14], $0x4000  }
0x2b1: {  	[sflag:s14] =	ssyncset.done $0x0  }
0x2b2: {  	s22 =	rddreg [dreg:$0x17];
	[sflag:s14] =	ssyncadd.s32 $0xFFFFC000  }
0x2b3: {  	[hbm4b:s22+s4] =	stream.strided.scatter [tilespmem:s5], [sflag:$0xA], $0x4000, s6, s4, $0x38;
	[tilespmem:$0x17400] =	vst v63  }
0x2b4: {  	_ =	swait.ge [sflag:s13], $0x4000  }
0x2b5: {  	[sflag:s13] =	ssyncset.done $0x0  }
0x2b6: {  	[sflag:s13] =	ssyncadd.s32 $0xFFFFC000  }
0x2b7: {  	[tilespmem:s5], [sflag:$0x5] =	stream.indirect.gather [hbm4b:s8+s12], $0x20, s23, s12, $0xb8;
	[tilespmem:$0x17400] =	vst v63  }
0x2b8: {  	_ =	swait.ge [sflag:s3], $0x4000  }
0x2b9: {  	[sflag:s3] =	ssyncset.done $0x0  }
0x2ba: {  	s24 =	rddreg [dreg:$0x18];
	[sflag:s3] =	ssyncadd.s32 $0xFFFFC000  }
0x2bb: {  	[hbm4b:s24+s4] =	stream.strided.scatter [tilespmem:s2], [sflag:$0x6], $0x4000, s6, s4, $0x38;
	[tilespmem:$0x17400] =	vst v63  }
0x2bc: {  	_ =	swait.ge [sflag:s7], $0x4000  }
0x2bd: {  	[sflag:s7] =	ssyncset.done $0x0  }
0x2be: {  	s25 =	simm.s32 $0x3200;
	[sflag:s7] =	ssyncadd.s32 $0xFFFFC000  }
0x2bf: {  	[tilespmem:s2], [sflag:$0x1] =	stream.indirect.gather [hbm4b:s8+s12], $0x20, s25, s12, $0xb8;
	[tilespmem:$0x17400] =	vst v63  }
0x2c0: {  	_ =	swait.ge [sflag:s20], $0x4000  }
0x2c1: {  	[sflag:s20] =	ssyncset.done $0x0  }
0x2c2: {  	s26 =	rddreg [dreg:$0x19];
	[sflag:s20] =	ssyncadd.s32 $0xFFFFC000  }
0x2c3: {  	[hbm4b:s26+s4] =	stream.strided.scatter [tilespmem:s11], [sflag:$0x7], $0x4000, s6, s4, $0x38;
	[tilespmem:$0x17400] =	vst v63  }
0x2c4: {  	_ =	swait.ge [sflag:s19], $0x4000  }
0x2c5: {  	[sflag:s19] =	ssyncset.done $0x0  }
0x2c6: {  	[sflag:s19] =	ssyncadd.s32 $0xFFFFC000  }
0x2c7: {  	_ =	swait.ge [sflag:s18], $0x4000  }
0x2c8: {  	[sflag:s18] =	ssyncset.done $0x0  }
0x2c9: {  	s28 =	rddreg [dreg:$0x1a];
	[sflag:s18] =	ssyncadd.s32 $0xFFFFC000  }
0x2ca: {  	[hbm4b:s28+s4] =	stream.strided.scatter [tilespmem:s10], [sflag:$0x8], $0x4000, s6, s4, $0x38;
	[tilespmem:$0x17400] =	vst v63  }
0x2cb: {  	_ =	swait.ge [sflag:s17], $0x4000  }
0x2cc: {  	[sflag:s17] =	ssyncset.done $0x0  }
0x2cd: {  	[sflag:s17] =	ssyncadd.s32 $0xFFFFC000  }
0x2ce: {  	_ =	swait.ge [sflag:s16], $0x4000  }
0x2cf: {  	[sflag:s16] =	ssyncset.done $0x0  }
0x2d0: {  	s29 =	rddreg [dreg:$0x1b];
	[sflag:s16] =	ssyncadd.s32 $0xFFFFC000  }
0x2d1: {  	[hbm4b:s29+s4] =	stream.strided.scatter [tilespmem:s9], [sflag:$0x9], $0x4000, s6, s4, $0x38;
	[tilespmem:$0x17400] =	vst v63  }
0x2d2: {  	_ =	swait.ge [sflag:s15], $0x4000  }
0x2d3: {  	[sflag:s15] =	ssyncset.done $0x0  }
0x2d4: {  	[sflag:s15] =	ssyncadd.s32 $0xFFFFC000  }
0x2d5: {  	_ =	swait.ge [sflag:s14], $0x4000  }
0x2d6: {  	[sflag:s14] =	ssyncset.done $0x0  }
0x2d7: {  	s30 =	rddreg [dreg:$0x1c];
	[sflag:s14] =	ssyncadd.s32 $0xFFFFC000  }
0x2d8: {  	[hbm4b:s30+s4] =	stream.strided.scatter [tilespmem:s5], [sflag:$0xA], $0x4000, s6, s4, $0x38;
	[tilespmem:$0x17400] =	vst v63  }
0x2d9: {  	_ =	swait.ge [sflag:s13], $0x4000  }
0x2da: {  	[sflag:s13] =	ssyncset.done $0x0  }
0x2db: {  	[sflag:s13] =	ssyncadd.s32 $0xFFFFC000  }
0x2dc: {  	_ =	swait.ge [sflag:s3], $0x4000  }
0x2dd: {  	[sflag:s3] =	ssyncset.done $0x0  }
0x2de: {  	s31 =	rddreg [dreg:$0x1d];
	[sflag:s3] =	ssyncadd.s32 $0xFFFFC000  }
0x2df: {  	[hbm4b:s31+s4] =	stream.strided.scatter [tilespmem:s2], [sflag:$0x6], $0x4000, s6, s4, $0x38;
	[tilespmem:$0x17400] =	vst v63  }
0x2e0: {  	_ =	swait.ge [sflag:s7], $0x4000  }
0x2e1: {  	[sflag:s7] =	ssyncset.done $0x0  }
0x2e2: {  	[sflag:s7] =	ssyncadd.s32 $0xFFFFC000  }
0x2e3: {  	_ =	sfence.sel $0x180000  }
0x2e4: {  	[bflag:$0x0] =	sbarrier.arrive $0xFFFF  }
0x2e5: {  	_ =	strace $0x90000047  }
0x2e6: {  	[bflag:$0x2] =	sbarrier.arrive $0xFFFF  }
0x2e7: {  	p0 =	sne.s32 s21, $0x0;
	s0 =	rddreg [dreg:$0x2]  }
0x2e8: {  	s0 =	sadd.s32 @!p0 $0x100000, s0  }
0x2e9: {  	[sflag:s0] =	ssyncadd.tile.s32 @!p0 $0x1;
	_ =	shalt  }
.LBB2_1:
.Ltmp3:
0x2ea: {  	(pc) =	sbr.rel .LBB2_6-.Ltmp3, $4  }
0x2eb: {  	_ = 	snop  }
0x2ec: {  	s22 =	simm.s32 $0x2400  }
0x2ed: {  	s29 =	simm.s32 $0x2600;
	s28 =	simm.s32 $0x2800;
	s26 =	simm.s32 $0x2A00  }
0x2ee: {  	s25 =	simm.s32 $0x2C00;
	s24 =	simm.s32 $0x2E00;
	s23 =	simm.s32 $0x3000  }
.LBB2_3:
.Ltmp4:
0x2ef: {  	(pc) =	sbr.rel .LBB2_6-.Ltmp4, $4  }
0x2f0: {  	_ = 	snop  }
0x2f1: {  	s22 =	simm.s32 $0x2400;
	s29 =	simm.s32 $0x2600  }
0x2f2: {  	s28 =	simm.s32 $0x2800;
	s26 =	simm.s32 $0x2A00;
	s25 =	simm.s32 $0x2C00  }
0x2f3: {  	s24 =	simm.s32 $0x2E00;
	s23 =	simm.s32 $0x3000;
	s21 =	stileid.u32  }
.Lfunc_end2:
_tile_overlayer_lowered:
.L_overlay_start_2:
0x2f4: {  	(tag) =	ssettag $0x2  }
0x2f5: {  	s0 =	rddreg [dreg:$0x0];
	s2 =	stileid.u32  }
0x2f6: {  	s1 =	rddreg [dreg:$0x1];
	p0 =	sne.s32 s2, $0x0  }
0x2f7: {  	s3 =	rddreg [dreg:$0x2];
	[bflag:$0x3] =	sbarrier.arrive $0xFFFF;
	s2 =	simm.s32 @!p0 $0x1C0B  }
0x2f8: {  	[timem:s3], [sflag:s2] =	dma.local @!p0 [hbm:s0], s1  }
0x2f9: {  	s0 =	simm.s32 @!p0 $0xB  }
0x2fa: {  	_ =	swait.ge @!p0 [sflag:s0], s1  }
0x2fb: {  	s1 =	ssub.s32 @!p0 $0x0, s1;
	[sflag:s0] =	ssyncset.done @!p0 $0x0  }
0x2fc: {  	[sflag:s0] =	ssyncadd.s32 @!p0 s1  }
0x2fd: {  	[bflag:$0x3] =	sbarrier.arrive $0xFFFF  }
0x2fe: {  	_ =	shalt  }

// kernel: sparse-core-data-format-call.cloned.1.call-start
scs
called_computation_lowered:
.L_overlay_start_0:
0x0: {  	s2 =	sld [smem:$0x3FD9]  }
0x1: {  	s3 =	sld [smem:$0x3FFE];
	_ =	sdelay $0x1  }
0x2: {  	s1 =	srdreg.scid  }
0x3: {  	s0 =	sand.u32 $0x1, s1  }
0x4: {  	s18 =	sshll.u32 s0, $0xA;
	s2 =	sadd.s32 s3, s2  }
0x5: {  	s2 =	sadd.s32 s2, s18  }
0x6: {  	[smem:$0x3FC6] =	sst s2  }
0x7: {  	_ = 	snop  }
0x8: {  	s2 =	sld [smem:$0x3FD0];
	(tm) =	ssettm $0x1  }
0x9: {  	s19 =	sld [smem:$0x3FFB];
	_ =	sdelay $0x3  }
0xa: {  	_ =	strace s19  }
0xb: {  	s3 =	sld [smem:$0x3FFC];
	_ =	sdelay $0x3  }
0xc: {  	_ =	strace s3  }
0xd: {  	s3 =	sld [smem:$0x3FFD];
	_ =	sdelay $0x3  }
0xe: {  	_ =	strace s3  }
0xf: {  	_ =	strace $0x8FFFFFFF  }
0x10: {  	s20 =	sld [smem:$0x3FDB];
	_ =	sdelay $0x1  }
0x11: {  	s4 =	simm.s32 $_scs_section_size  }
0x12: {  	s5 =	simm.s32 $_size__tile_overlayer_lowered;
	s6 =	simm.s32 $_tile_overlayer_lowered  }
0x13: {  	s23 =	simm.s32 $0x1BFF;
	s22 =	sshll.u32 s6, $0x1;
	s3 =	sadd.s32 s4, s20  }
0x14: {  	s7 =	simm.s32 $0x0;
	s21 =	sshll.u32 s5, $0x1;
	s5 =	sadd.s32 s22, s3  }
0x15: {  	[timem:s7], [sflag:s23] =	dma.local [hbm:s5], s21  }
0x16: {  	_ =	swait.ge [sflag:s23], s21  }
0x17: {  	s4 =	ssub.s32 $0x0, s21;
	[sflag:s23] =	ssyncset.done $0x0  }
0x18: {  	[sflag:s23] =	ssyncadd.s32 s4;
	_ =	sdelay $0x1  }
0x19: {  	s24 =	simm.s32 $0x1B8B  }
0x1a: {  	_ =	swait.ge [sflag:s24], $0x1  }
0x1b: {  	[sflag:s24] =	ssyncset.done $0x0  }
0x1c: {  	s26 =	simm.s32 $0x1B8E;
	s25 =	sld [smem:$0x3FFE];
	[sflag:s24] =	ssyncadd.s32 $0xFFFFFFFF  }
0x1d: {  	s27 =	simm.s32 $execute0_lowered;
	[smem:$0x3FD2] =	sst s26  }
0x1e: {  	s5 =	sshll.u32 s27, $0x1;
	_ =	strace $0x80000049;
	[dreg:$0x1] =	wrdreg $0xFFFFFFFF  }
0x1f: {  	s28 =	simm.s32 $_size_execute0_lowered;
	s3 =	sadd.s32 s3, s5;
	[dreg:$0x0] =	wrdreg $0x0  }
0x20: {  	s5 =	sshll.u32 s28, $0x1;
	[dreg:$0x2] =	wrdreg s3  }
0x21: {  	[dreg:$0x3] =	wrdreg s5  }
0x22: {  	[dreg:$0x4] =	wrdreg $0xC0  }
0x23: {  	_ =	task [dreg:s7], $0x5FFFF  }
0x24: {  	[dreg:$0x1] =	wrdreg $0xFFFFFFFF  }
0x25: {  	[dreg:$0x0] =	wrdreg $0x60  }
0x26: {  	[dreg:$0x2] =	wrdreg s25  }
0x27: {  	[dreg:$0x3] =	wrdreg s2  }
0x28: {  	[dreg:$0x4] =	wrdreg $0x9  }
0x29: {  	_ =	task.clear_ibuf [dreg:s7], $0x5FFFF;
	_ =	strace $0x90000049  }
0x2a: {  	s29 =	simm.s32 $0x9;
	_ =	strace $0x8000004B  }
0x2b: {  	_ =	swait.ge [sflag:s29], $0x1  }
0x2c: {  	[sflag:s29] =	ssyncadd.s32 $0xFFFFFFFF  }
0x2d: {  	_ =	strace $0x9000004B  }
0x2e: {  	_ =	sfence  }
0x2f: {  	s30 =	sld [smem:$0x0];
	_ =	sdelay $0x2  }
0x30: {  	s31 =	sshll.u32 s1, $0xD;
	s1 =	sshrl.u32 s1, $0x2  }
0x31: {  	s3 =	sand.u32 $0x4000, s31;
	s1 =	sadd.s32 s1, s30  }
0x32: {  	s0 =	sor.u32 s3, s0;
	s1 =	sshll.u32 s1, $0x11  }
0x33: {  	s0 =	sor.u32 s1, s0  }
0x34: {  	s0 =	sadd.s32 $0x8F2B, s0  }
0x35: {  	[sflag:s0] =	ssyncadd.remote.s32 $0x1  }
0x36: {  	_ =	sfence.sel $0xFFFF  }
0x37: {  	[dreg:$0x0] =	wrdreg $0xFFFFFFFF;
	(pc) =	sbr.abs _section_cstart, $3  }
0x38: {  	[dreg:$0x1] =	wrdreg $0xFFFFFFFF  }
0x39: {  	_ =	task.clear_ibuf [dreg:s7], $0x2FFFF;
	_ =	strace $0x9FFFFFFF  }
0x3a: {  	(tm) =	ssettm $0x7FFFFFFF  }
0x3b: {  	_ =	shalt  }
tec
execute0_lowered:
.L_overlay_start_1:
0x0: {  	(tag) =	ssettag $0x1  }
0x1: {  	s0 =	srdreg.scid  }
0x2: {  	s1 =	sshll.u32 s0, $0x4  }
0x3: {  	s0 =	stileid.u32;
	s1 =	sand.u32 $0x10, s1  }
0x4: {  	s1 =	sor.u32 s0, s1  }
0x5: {  	s6 =	rddreg [dreg:$0x0];
	s4 =	simm.s32 $0x1;
	s2 =	sshll.u32 s1, $0x7  }
0x6: {  	s7 =	simm.s32 $0x2;
	s12 =	simm.s32 $0x0;
	s1 =	ssub.s32 $0x4000, s2  }
0x7: {  	s8 =	simm.s32 $0x20000;
	s13 =	simm.s32 $0x0;
	s3 =	sand.u32 $0xF80, s1  }
0x8: {  	s9 =	simm.s32 $0x0;
	s5 =	sshrl.u32 s1, $0xC;
	p0 =	sne.s32 s3, $0x0  }
.Ltmp0:
0x9: {  	s1 =	rddreg [dreg:$0x2];
	s4 =	simm.s32 @!p0 $0x0;
	(pc) =	sbr.rel .LBB1_1-.Ltmp0, $4  }
0xa: {  	s11 =	simm.s32 $0x0;
	s3 =	rddreg [dreg:$0x1];
	s5 =	sadd.s32 s4, s5  }
0xb: {  	_ =	strace $0x8000004A;
	s4 =	simm.s32 $0x1;
	s5 =	smul.u32 $0x1A, s5  }
0xc: {  	s6 =	sadd.s32 $0xA00, s6;
	s10 =	smov.u32 s2;
	[sflag:s4] =	ssyncpa.u1 $0x0  }
0xd: {  	p0 =	por $0x0, $0x0;
	[sflag:s7] =	ssyncpa.u1 $0x0;
	s7 =	sor.u32 $0x1, s5  }
.LBB1_4:
0xe: {  	s16 =	sshll.u32 s13, $0x3;
	s17 =	sand.u32 $0x78, s13  }
0xf: {  	s30 =	sand.u32 $0xF800, s13;
	s12 =	sshll.u32 s12, $0x10;
	s16 =	sand.u32 $0x3C00, s16  }
0x10: {  	s31 =	sand.u32 $0x7, s13;
	s16 =	sor.u32 s17, s16;
	s17 =	sadd.s32 s3, s30  }
0x11: {  	s13 =	sshll.u32 s31, $0x12;
	s16 =	sshrl.u32 s16, $0x3;
	s12 =	sadd.s32 s12, s17  }
0x12: {  	[tilespmem:s15+$0x0 ss:$0x81] =	vst.msk $0xffff, v0;
	s13 =	sor.u32 $0x400, s13;
	s12 =	sadd.s32 s16, s12  }
0x13: {  	[hbm4b:s12+s13] =	stream.strided.scatter [tilespmem:s14], [sflag:$0x2], $0x1000, s8, s13, $0x20;
	[tilespmem:$0x4040] =	vst v63  }
.LBB1_5:
0x14: {  	s14 =	sadd.s32 $0x1, s9  }
0x15: {  	s12 =	sadd.s32 $0x1000, s10;
	s16 =	smov.u32 s10;
	p2 =	sgt.s32 s14, $0x19  }
0x16: {  	s16 =	smov.u32 @p2 s12  }
0x17: {  	s14 =	simm.s32 @p2 $0x0;
	p2 =	sgt.s32 s16, $0x3FFF  }
0x18: {  	s16 =	smov.u32 @p2 s2;
	p2 =	sne.s32 s11, s7  }
.Ltmp1:
0x19: {  	p1 =	slt.u32 s11, $0x2;
	(pc) =	sbr.rel @!p2 .LBB1_6-.Ltmp1, $4  }
0x1a: {  	s15 =	simm.s32 @!p1 $0x2  }
0x1b: {  	s13 =	smov.u32 s10;
	p0 =	por !p0, !p0;
	_ =	swait.ge @!p1 [sflag:s15], $0x1000  }
0x1c: {  	s12 =	smov.u32 s9;
	[sflag:s15] =	ssyncset.done @!p1 $0x0;
	s9 =	smov.u32 s14  }
0x1d: {  	s11 =	sadd.s32 $0x1, s11;
	[sflag:s15] =	ssyncadd.s32 @!p1 $0xFFFFF000;
	s10 =	smov.u32 s16  }
.LBB1_1:
0x1e: {  	p1 =	sge.u32 s11, s5  }
0x1f: {  	s31 =	sadd.s32 $0xFFFFFFFF, s11;
	s14 =	sxor.u32 @!p1 $0xFFFFFFFF, s11  }
0x20: {  	s15 =	sshll.u32 @!p1 s10, $0x9;
	s16 =	sshll.u32 @!p1 s9, $0x4;
	s17 =	simm.s32 @!p1 $0x1000  }
0x21: {  	s14 =	sshll.u32 @!p1 s14, $0xC;
	s16 =	sand.u32 @!p1 $0x1F0, s16;
	s15 =	sadd.s32 @!p1 s6, s15  }
0x22: {  	s14 =	sand.u32 @!p1 $0x1000, s14;
	s15 =	sadd.s32 @!p1 s16, s15;
	s16 =	simm.s32 @!p1 $0x20  }
0x23: {  	[tilespmem:s14], [sflag:$0x1] =	stream.strided.gather @!p1 [hbm4b:s15+s16], $0x1000, s17, s16, $0x38;
	[tilespmem:$0x4040] =	vst v63  }
0x24: {  	p1 =	sge.u32 s31, s5  }
.Ltmp2:
0x25: {  	_ = 	snop;
	(pc) =	sbr.rel @p1 .LBB1_5-.Ltmp2, $1  }
0x26: {  	_ =	sdelay $0x3  }
0x27: {  	s14 =	simm.s32 $0x1  }
0x28: {  	_ =	swait.ge [sflag:s4], $0x1000;
	s14 =	simm.s32 @!p0 $0x0  }
0x29: {  	[sflag:s4] =	ssyncset.done $0x0;
	s15 =	sshll.u32 s14, $0xC  }
0x2a: {  	[sflag:s4] =	ssyncadd.s32 $0xFFFFF000;
	s18 =	sor.u32 $0x10, s15  }
0x2b: {  	s14 =	smul.u32 $0x4080, s14;
	v1 =	vld [tilespmem:s18+$0x0]  }
0x2c: {  	s30 =	sand.u32 $0x1, s11;
	v0 =	vld [tilespmem:s18+$0xFFFFFFF0]  }
0x2d: {  	s15 =	smul.u32 $0x4080, s30;
	s14 =	sshrl.u32 s14, $0x2  }
0x2e: {  	s16 =	sor.u32 $0x2000, s14  }
0x2f: {  	s31 =	sshrl.u32 s15, $0x2;
	s15 =	sadd.s32 $0x0, s16  }
0x30: {  	s17 =	simm.s32 $0x4;
	s18 =	sadd.s32 $0x20, s18;
	s14 =	sor.u32 $0x2000, s31;
	[tilespmem:s15+$0x810 ss:$0x81] =	vst.msk $0xffff, v1  }
.LBB1_3:
0x31: {  	v1 =	vld [tilespmem:s18+$0x0];
	p1 =	sne.s32 s17, $0x1FC;
	[tilespmem:s15+$0x0 ss:$0x81] =	vst.msk $0xffff, v0;
	s15 =	smov.u32 s17;
	s17 =	sadd.s32 $0x4, s17  }
.Ltmp3:
0x32: {  	v0 =	vld [tilespmem:s18+$0xFFFFFFF0];
	(pc) =	sbr.rel @p1 .LBB1_3-.Ltmp3, $4  }
0x33: {  	_ = 	snop  }
0x34: {  	s15 =	sshra.s32 s15, $0x2  }
0x35: {  	s15 =	sadd.s32 s15, s16  }
0x36: {  	s18 =	sadd.s32 $0x20, s18;
	[tilespmem:s15+$0x810 ss:$0x81] =	vst.msk $0xffff, v1  }
.Ltmp4:
0x37: {  	_ = 	snop;
	(pc) =	sbr.rel .LBB1_4-.Ltmp4, $1  }
0x38: {  	_ =	sdelay $0x3  }
.LBB1_6:
0x39: {  	_ =	sfence.sel $0x180000  }
0x3a: {  	s2 =	simm.s32 $0x1;
	[bflag:$0x0] =	sbarrier.arrive $0xFFFF  }
0x3b: {  	s31 =	simm.s32 $0x2;
	[sflag:s2] =	ssyncpa.u1 $0x1  }
0x3c: {  	[sflag:s31] =	ssyncpa.u1 $0x1  }
0x3d: {  	p0 =	sne.s32 s0, $0x0;
	_ =	strace $0x9000004A  }
0x3e: {  	s0 =	sadd.s32 @!p0 $0x100000, s1;
	[bflag:$0x2] =	sbarrier.arrive $0xFFFF  }
0x3f: {  	[sflag:s0] =	ssyncadd.tile.s32 @!p0 $0x1;
	_ =	shalt  }
.Lfunc_end1:
_tile_overlayer_lowered:
.L_overlay_start_2:
0x40: {  	(tag) =	ssettag $0x2  }
0x41: {  	s0 =	rddreg [dreg:$0x0];
	s2 =	stileid.u32  }
0x42: {  	s1 =	rddreg [dreg:$0x1];
	p0 =	sne.s32 s2, $0x0  }
0x43: {  	s3 =	rddreg [dreg:$0x2];
	[bflag:$0x3] =	sbarrier.arrive $0xFFFF;
	s2 =	simm.s32 @!p0 $0x1C01  }
0x44: {  	[timem:s3], [sflag:s2] =	dma.local @!p0 [hbm:s0], s1  }
0x45: {  	s0 =	simm.s32 @!p0 $0x1  }
0x46: {  	_ =	swait.ge @!p0 [sflag:s0], s1  }
0x47: {  	s1 =	ssub.s32 @!p0 $0x0, s1;
	[sflag:s0] =	ssyncset.done @!p0 $0x0  }
0x48: {  	[sflag:s0] =	ssyncadd.s32 @!p0 s1  }
0x49: {  	[bflag:$0x3] =	sbarrier.arrive $0xFFFF  }
0x4a: {  	_ =	shalt  }

</sc_bundles>
